<compile_context>
chip_gen: v7x
topology: tpu7x:2x2x1
jax: 0.10.2.dev20260603
libtpu: 0.0.44.dev20260713+nightly
codegen_flags: <defaults>
</compile_context>

<pallas_src>
import functools

import jax
import jax.numpy as jnp
from jax import lax
from jax.experimental import pallas as pl
from jax.experimental.pallas import tpu as pltpu
from jax.experimental.pallas import tpu_sc as plsc

INPUT_DIM = 128
OUTPUT_DIM = 64
BATCH = 16384

_NC = 2
_NS = 16
_NW = _NC * _NS
_BPW = BATCH // _NW
_CHUNK = 128
_NCHUNK = _BPW // _CHUNK


def _sc_gather(table, idx3):
    mesh = plsc.VectorSubcoreMesh(core_axis_name="c", subcore_axis_name="s")

    @functools.partial(
        pl.kernel,
        out_type=jax.ShapeDtypeStruct((BATCH, INPUT_DIM), jnp.float32),
        mesh=mesh,
        scratch_types=[
            pltpu.VMEM((_NCHUNK, _CHUNK), jnp.int32),
            pltpu.VMEM((_BPW, INPUT_DIM), jnp.float32),
            [pltpu.SemaphoreType.DMA] * _NCHUNK,
            pltpu.SemaphoreType.DMA,
        ],
    )
    def gather_kernel(table_hbm, idx_hbm, out_hbm, idx_v, rows_v, gsems, wsem):
        wid = lax.axis_index("s") * _NC + lax.axis_index("c")
        base = wid * _BPW
        pltpu.sync_copy(idx_hbm.at[wid], idx_v)
        gathers = [
            pltpu.async_copy(
                table_hbm.at[idx_v.at[j]],
                rows_v.at[pl.ds(j * _CHUNK, _CHUNK)],
                gsems[j],
            )
            for j in range(_NCHUNK)
        ]
        writes = []
        for j in range(_NCHUNK):
            gathers[j].wait()
            writes.append(
                pltpu.async_copy(
                    rows_v.at[pl.ds(j * _CHUNK, _CHUNK)],
                    out_hbm.at[pl.ds(base + j * _CHUNK, _CHUNK)],
                    wsem,
                )
            )
        for cp in writes:
            cp.wait()

    return gather_kernel(table, idx3)


_TBLK = 2048


def _proj_body(x_hbm, w_ref, b_ref, o_hbm, xv, ov, isems, osems):
    nch = x_hbm.shape[0] // _TBLK
    ones = jnp.ones((OUTPUT_DIM, OUTPUT_DIM), jnp.float32)
    incps = [
        pltpu.make_async_copy(
            x_hbm.at[pl.ds(j * _TBLK, _TBLK)],
            xv.at[pl.ds(j * _TBLK, _TBLK)],
            isems[j],
        )
        for j in range(nch)
    ]
    for c in incps:
        c.start()
    outcps = []
    for j in range(nch):
        incps[j].wait()
        z = jnp.dot(
            xv[pl.ds(j * _TBLK, _TBLK), :], w_ref[...],
            preferred_element_type=jnp.float32,
        ) + b_ref[...]
        s = jnp.dot(z * z, ones, preferred_element_type=jnp.float32)
        ov[pl.ds(j * _TBLK, _TBLK), :] = z / jnp.sqrt(jnp.maximum(s, 1e-24))
        c = pltpu.make_async_copy(
            ov.at[pl.ds(j * _TBLK, _TBLK)],
            o_hbm.at[pl.ds(j * _TBLK, _TBLK)],
            osems[j],
        )
        c.start()
        outcps.append(c)
    for c in outcps:
        c.wait()


def _tc_project(x, w, b2):
    n = x.shape[0]
    nch = n // _TBLK
    return pl.pallas_call(
        _proj_body,
        in_specs=[
            pl.BlockSpec(memory_space=pl.ANY),
            pl.BlockSpec(memory_space=pltpu.MemorySpace.VMEM),
            pl.BlockSpec(memory_space=pltpu.MemorySpace.VMEM),
        ],
        out_specs=pl.BlockSpec(memory_space=pl.ANY),
        out_shape=jax.ShapeDtypeStruct((n, OUTPUT_DIM), jnp.float32),
        scratch_shapes=[
            pltpu.VMEM((n, INPUT_DIM), jnp.float32),
            pltpu.VMEM((n, OUTPUT_DIM), jnp.float32),
            [pltpu.SemaphoreType.DMA] * nch,
            [pltpu.SemaphoreType.DMA] * nch,
        ],
    )(x, w, b2)


def kernel(user_ids, table, W, b):
    idx3 = user_ids.astype(jnp.int32).reshape(_NW, _NCHUNK, _CHUNK)
    gathered = _sc_gather(table, idx3)
    return _tc_project(gathered, W, b.reshape(1, OUTPUT_DIM))

# --- scband reference (transcript-rebuilt; emitter-appended) ---
"""Pipeline reference for scband-semantic-encoder-52544629899537 (READ-ONLY COPY).

The authoritative reference and input builder live on the scoring server;
editing this copy changes nothing except your own understanding.
"""

import jax, jax.numpy as jnp
import numpy as np

NUM_USERS = 1000000
INPUT_DIM = 128
OUTPUT_DIM = 64
BATCH = 16384


def setup_inputs(seed: int = 0) -> dict:
    key = jax.random.key(seed)
    k1, k2, k3, k4 = jax.random.split(key, 4)
    user_ids = jax.random.randint(k1, (BATCH,), 0, NUM_USERS, dtype=jnp.int64)
    # fallback user embedding table, xavier_uniform init
    bound_emb = float(np.sqrt(6.0 / (NUM_USERS + INPUT_DIM)))
    table = jax.random.uniform(k2, (NUM_USERS, INPUT_DIM), dtype=jnp.float32, minval=-bound_emb, maxval=bound_emb)
    # linear encoder params (torch default kaiming-uniform-ish)
    bound_w = float(np.sqrt(1.0 / INPUT_DIM))
    W = jax.random.uniform(k3, (INPUT_DIM, OUTPUT_DIM), dtype=jnp.float32, minval=-bound_w, maxval=bound_w)
    b = jax.random.uniform(k4, (OUTPUT_DIM,), dtype=jnp.float32, minval=-bound_w, maxval=bound_w)
    return {"user_ids": user_ids, "table": table, "W": W, "b": b}


def reference(user_ids, table, W, b):
    # fallback embedding lookup (no external features registered)
    raw = jnp.take(table, user_ids, axis=0)  # (B, input_dim)
    # dropout p=0.0 -> identity
    z = raw @ W + b  # (B, output_dim)
    # F.normalize(z, p=2, dim=-1) with eps=1e-12
    norm = jnp.maximum(jnp.linalg.norm(z, axis=-1, keepdims=True), 1e-12)
    return z / norm

if __name__ == "__main__":
    import jax
    _d = setup_inputs()
    print(jax.jit(kernel)(*tuple(_d.values())))

</pallas_src>

<mosaic_0001>
#map = affine_map<(d0, d1) -> (0, 0)>
#map1 = affine_map<(d0, d1) -> (0, 0, 0)>
module attributes {stable_mosaic.version = 14 : i64} {
  func.func @gather_kernel(%arg0: i32, %arg1: i32, %arg2: memref<1000000x128xf32, #tpu.memory_space<hbm>>, %arg3: memref<32x4x128xi32, #tpu.memory_space<hbm>>, %arg4: memref<16384x128xf32, #tpu.memory_space<hbm>>, %arg5: memref<4x128xi32, #tpu.memory_space<vmem>>, %arg6: memref<512x128xf32, #tpu.memory_space<vmem>>, %arg7: memref<!tpu.dma_semaphore, #tpu.memory_space<semaphore_mem>>, %arg8: memref<!tpu.dma_semaphore, #tpu.memory_space<semaphore_mem>>, %arg9: memref<!tpu.dma_semaphore, #tpu.memory_space<semaphore_mem>>, %arg10: memref<!tpu.dma_semaphore, #tpu.memory_space<semaphore_mem>>, %arg11: memref<!tpu.dma_semaphore, #tpu.memory_space<semaphore_mem>>) attributes {dimension_semantics = [#tpu.dimension_semantics<core_parallel>, #tpu.dimension_semantics<subcore_parallel>], iteration_bounds = array<i64: 2, 16>, scalar_prefetch = 0 : i64, scratch_operands = 7 : i64, tpu.core_type = #tpu.core_type<sc_vector_subcore>, window_params = [{transform_indices = #map}, {transform_indices = #map1}, {transform_indices = #map}]} {
    %mul3A = arith.constant 2 : i32
    %mul3A_0 = arith.muli %arg1, %mul3A : i32
    %add3A = arith.addi %mul3A_0, %arg0 : i32
    %mul3A_1 = arith.constant 512 : i32
    %mul3A_2 = arith.muli %add3A, %mul3A_1 : i32
    "tpu.region"() ({
      %run_scoped3A = tpu.sem_alloc : memref<!tpu.dma_semaphore, #tpu.memory_space<semaphore_mem>>
      %dma_start3A_169 = arith.constant 0 : i32
      %dma_start3A_170 = arith.constant 0 : i32
      %dma_start3A_171 = tpu.memref_slice %arg3[%add3A, %dma_start3A_169, %dma_start3A_170] : memref<32x4x128xi32, #tpu.memory_space<hbm>> -> memref<1x4x128xi32, #tpu.memory_space<hbm>>
      %dma_start3A_172 = tpu.memref_squeeze %dma_start3A_171 : memref<1x4x128xi32, #tpu.memory_space<hbm>> -> memref<4x128xi32, #tpu.memory_space<hbm>>
      %dma_start3A_173 = arith.constant 0 : i32
      %dma_start3A_174 = arith.constant 0 : i32
      %dma_start3A_175 = tpu.memref_slice %arg3[%add3A, %dma_start3A_173, %dma_start3A_174] : memref<32x4x128xi32, #tpu.memory_space<hbm>> -> memref<1x4x128xi32, #tpu.memory_space<hbm>>
      %dma_start3A_176 = tpu.memref_squeeze %dma_start3A_175 : memref<1x4x128xi32, #tpu.memory_space<hbm>> -> memref<4x128xi32, #tpu.memory_space<hbm>>
      tpu.enqueue_dma source(%dma_start3A_176 : memref<4x128xi32, #tpu.memory_space<hbm>>) target(%arg5 : memref<4x128xi32, #tpu.memory_space<vmem>>) target_semaphore(%run_scoped3A : memref<!tpu.dma_semaphore, #tpu.memory_space<semaphore_mem>>)
      %dma_wait3A_177 = arith.constant 0 : i32
      %dma_wait3A_178 = arith.constant 0 : i32
      %dma_wait3A_179 = tpu.memref_slice %arg3[%add3A, %dma_wait3A_177, %dma_wait3A_178] : memref<32x4x128xi32, #tpu.memory_space<hbm>> -> memref<1x4x128xi32, #tpu.memory_space<hbm>>
      %dma_wait3A_180 = tpu.memref_squeeze %dma_wait3A_179 : memref<1x4x128xi32, #tpu.memory_space<hbm>> -> memref<4x128xi32, #tpu.memory_space<hbm>>
      %dma_wait3A_181 = arith.constant 0 : i32
      %dma_wait3A_182 = arith.constant 0 : i32
      %dma_wait3A_183 = tpu.memref_slice %arg3[%add3A, %dma_wait3A_181, %dma_wait3A_182] : memref<32x4x128xi32, #tpu.memory_space<hbm>> -> memref<1x4x128xi32, #tpu.memory_space<hbm>>
      %dma_wait3A_184 = tpu.memref_squeeze %dma_wait3A_183 : memref<1x4x128xi32, #tpu.memory_space<hbm>> -> memref<4x128xi32, #tpu.memory_space<hbm>>
      tpu.wait_dma2 semaphore(%run_scoped3A : memref<!tpu.dma_semaphore, #tpu.memory_space<semaphore_mem>>) src(%dma_wait3A_184 : memref<4x128xi32, #tpu.memory_space<hbm>>) dst(%arg5 : memref<4x128xi32, #tpu.memory_space<vmem>>)
      tpu.yield
    }) : () -> ()
    %dma_start3A = arith.constant 0 : i32
    %dma_start3A_3 = arith.constant 0 : i32
    %dma_start3A_4 = arith.constant 0 : i32
    %dma_start3A_5 = tpu.memref_slice %arg6[%dma_start3A_3, %dma_start3A_4] : memref<512x128xf32, #tpu.memory_space<vmem>> -> memref<128x128xf32, #tpu.memory_space<vmem>>
    %dma_start3A_6 = arith.constant 0 : i32
    %dma_start3A_7 = tpu.memref_slice %arg5[%dma_start3A, %dma_start3A_6] : memref<4x128xi32, #tpu.memory_space<vmem>> -> memref<1x128xi32, #tpu.memory_space<vmem>>
    %dma_start3A_8 = tpu.memref_squeeze %dma_start3A_7 : memref<1x128xi32, #tpu.memory_space<vmem>> -> memref<128xi32, #tpu.memory_space<vmem>>
    %dma_start3A_9 = arith.constant 0 : i32
    %dma_start3A_10 = arith.constant 0 : i32
    %dma_start3A_11 = tpu.memref_slice %arg2[%dma_start3A_9, %dma_start3A_10] : memref<1000000x128xf32, #tpu.memory_space<hbm>> -> memref<1000000x128xf32, #tpu.memory_space<hbm>>
    tpu.enqueue_indirect_dma source(%dma_start3A_11 : memref<1000000x128xf32, #tpu.memory_space<hbm>>) target(%dma_start3A_5 : memref<128x128xf32, #tpu.memory_space<vmem>>) offsets(%dma_start3A_8 : memref<128xi32, #tpu.memory_space<vmem>>) semaphore(%arg7 : memref<!tpu.dma_semaphore, #tpu.memory_space<semaphore_mem>>)
    %dma_start3A_12 = arith.constant 1 : i32
    %dma_start3A_13 = arith.constant 128 : i32
    %dma_start3A_14 = arith.constant 0 : i32
    %dma_start3A_15 = tpu.memref_slice %arg6[%dma_start3A_13, %dma_start3A_14] : memref<512x128xf32, #tpu.memory_space<vmem>> -> memref<128x128xf32, #tpu.memory_space<vmem>>
    %dma_start3A_16 = arith.constant 0 : i32
    %dma_start3A_17 = tpu.memref_slice %arg5[%dma_start3A_12, %dma_start3A_16] : memref<4x128xi32, #tpu.memory_space<vmem>> -> memref<1x128xi32, #tpu.memory_space<vmem>>
    %dma_start3A_18 = tpu.memref_squeeze %dma_start3A_17 : memref<1x128xi32, #tpu.memory_space<vmem>> -> memref<128xi32, #tpu.memory_space<vmem>>
    %dma_start3A_19 = arith.constant 0 : i32
    %dma_start3A_20 = arith.constant 0 : i32
    %dma_start3A_21 = tpu.memref_slice %arg2[%dma_start3A_19, %dma_start3A_20] : memref<1000000x128xf32, #tpu.memory_space<hbm>> -> memref<1000000x128xf32, #tpu.memory_space<hbm>>
    tpu.enqueue_indirect_dma source(%dma_start3A_21 : memref<1000000x128xf32, #tpu.memory_space<hbm>>) target(%dma_start3A_15 : memref<128x128xf32, #tpu.memory_space<vmem>>) offsets(%dma_start3A_18 : memref<128xi32, #tpu.memory_space<vmem>>) semaphore(%arg8 : memref<!tpu.dma_semaphore, #tpu.memory_space<semaphore_mem>>)
    %dma_start3A_22 = arith.constant 2 : i32
    %dma_start3A_23 = arith.constant 256 : i32
    %dma_start3A_24 = arith.constant 0 : i32
    %dma_start3A_25 = tpu.memref_slice %arg6[%dma_start3A_23, %dma_start3A_24] : memref<512x128xf32, #tpu.memory_space<vmem>> -> memref<128x128xf32, #tpu.memory_space<vmem>>
    %dma_start3A_26 = arith.constant 0 : i32
    %dma_start3A_27 = tpu.memref_slice %arg5[%dma_start3A_22, %dma_start3A_26] : memref<4x128xi32, #tpu.memory_space<vmem>> -> memref<1x128xi32, #tpu.memory_space<vmem>>
    %dma_start3A_28 = tpu.memref_squeeze %dma_start3A_27 : memref<1x128xi32, #tpu.memory_space<vmem>> -> memref<128xi32, #tpu.memory_space<vmem>>
    %dma_start3A_29 = arith.constant 0 : i32
    %dma_start3A_30 = arith.constant 0 : i32
    %dma_start3A_31 = tpu.memref_slice %arg2[%dma_start3A_29, %dma_start3A_30] : memref<1000000x128xf32, #tpu.memory_space<hbm>> -> memref<1000000x128xf32, #tpu.memory_space<hbm>>
    tpu.enqueue_indirect_dma source(%dma_start3A_31 : memref<1000000x128xf32, #tpu.memory_space<hbm>>) target(%dma_start3A_25 : memref<128x128xf32, #tpu.memory_space<vmem>>) offsets(%dma_start3A_28 : memref<128xi32, #tpu.memory_space<vmem>>) semaphore(%arg9 : memref<!tpu.dma_semaphore, #tpu.memory_space<semaphore_mem>>)
    %dma_start3A_32 = arith.constant 3 : i32
    %dma_start3A_33 = arith.constant 384 : i32
    %dma_start3A_34 = arith.constant 0 : i32
    %dma_start3A_35 = tpu.memref_slice %arg6[%dma_start3A_33, %dma_start3A_34] : memref<512x128xf32, #tpu.memory_space<vmem>> -> memref<128x128xf32, #tpu.memory_space<vmem>>
    %dma_start3A_36 = arith.constant 0 : i32
    %dma_start3A_37 = tpu.memref_slice %arg5[%dma_start3A_32, %dma_start3A_36] : memref<4x128xi32, #tpu.memory_space<vmem>> -> memref<1x128xi32, #tpu.memory_space<vmem>>
    %dma_start3A_38 = tpu.memref_squeeze %dma_start3A_37 : memref<1x128xi32, #tpu.memory_space<vmem>> -> memref<128xi32, #tpu.memory_space<vmem>>
    %dma_start3A_39 = arith.constant 0 : i32
    %dma_start3A_40 = arith.constant 0 : i32
    %dma_start3A_41 = tpu.memref_slice %arg2[%dma_start3A_39, %dma_start3A_40] : memref<1000000x128xf32, #tpu.memory_space<hbm>> -> memref<1000000x128xf32, #tpu.memory_space<hbm>>
    tpu.enqueue_indirect_dma source(%dma_start3A_41 : memref<1000000x128xf32, #tpu.memory_space<hbm>>) target(%dma_start3A_35 : memref<128x128xf32, #tpu.memory_space<vmem>>) offsets(%dma_start3A_38 : memref<128xi32, #tpu.memory_space<vmem>>) semaphore(%arg10 : memref<!tpu.dma_semaphore, #tpu.memory_space<semaphore_mem>>)
    %dma_wait3A = arith.constant 0 : i32
    %dma_wait3A_42 = arith.constant 0 : i32
    %dma_wait3A_43 = arith.constant 0 : i32
    %dma_wait3A_44 = tpu.memref_slice %arg6[%dma_wait3A_42, %dma_wait3A_43] : memref<512x128xf32, #tpu.memory_space<vmem>> -> memref<128x128xf32, #tpu.memory_space<vmem>>
    %dma_wait3A_45 = arith.constant 0 : i32
    %dma_wait3A_46 = tpu.memref_slice %arg5[%dma_wait3A, %dma_wait3A_45] : memref<4x128xi32, #tpu.memory_space<vmem>> -> memref<1x128xi32, #tpu.memory_space<vmem>>
    %dma_wait3A_47 = tpu.memref_squeeze %dma_wait3A_46 : memref<1x128xi32, #tpu.memory_space<vmem>> -> memref<128xi32, #tpu.memory_space<vmem>>
    %dma_wait3A_48 = arith.constant 0 : i32
    %dma_wait3A_49 = arith.constant 0 : i32
    %dma_wait3A_50 = tpu.memref_slice %arg2[%dma_wait3A_48, %dma_wait3A_49] : memref<1000000x128xf32, #tpu.memory_space<hbm>> -> memref<1000000x128xf32, #tpu.memory_space<hbm>>
    tpu.wait_indirect_dma semaphore(%arg7 : memref<!tpu.dma_semaphore, #tpu.memory_space<semaphore_mem>>) src(%dma_wait3A_50 : memref<1000000x128xf32, #tpu.memory_space<hbm>>) dst(%dma_wait3A_44 : memref<128x128xf32, #tpu.memory_space<vmem>>)
    %add3A_51 = arith.constant 0 : i32
    %add3A_52 = arith.addi %mul3A_2, %add3A_51 : i32
    %dma_start3A_53 = arith.constant 0 : i32
    %dma_start3A_54 = arith.constant 0 : i32
    %dma_start3A_55 = tpu.memref_slice %arg6[%dma_start3A_53, %dma_start3A_54] : memref<512x128xf32, #tpu.memory_space<vmem>> -> memref<128x128xf32, #tpu.memory_space<vmem>>
    %dma_start3A_56 = arith.constant 0 : i32
    %dma_start3A_57 = tpu.memref_slice %arg4[%add3A_52, %dma_start3A_56] : memref<16384x128xf32, #tpu.memory_space<hbm>> -> memref<128x128xf32, #tpu.memory_space<hbm>>
    %dma_start3A_58 = arith.constant 0 : i32
    %dma_start3A_59 = tpu.memref_slice %arg4[%add3A_52, %dma_start3A_58] : memref<16384x128xf32, #tpu.memory_space<hbm>> -> memref<128x128xf32, #tpu.memory_space<hbm>>
    %dma_start3A_60 = arith.constant 0 : i32
    %dma_start3A_61 = arith.constant 0 : i32
    %dma_start3A_62 = tpu.memref_slice %arg6[%dma_start3A_60, %dma_start3A_61] : memref<512x128xf32, #tpu.memory_space<vmem>> -> memref<128x128xf32, #tpu.memory_space<vmem>>
    tpu.enqueue_dma source(%dma_start3A_62 : memref<128x128xf32, #tpu.memory_space<vmem>>) target(%dma_start3A_59 : memref<128x128xf32, #tpu.memory_space<hbm>>) target_semaphore(%arg11 : memref<!tpu.dma_semaphore, #tpu.memory_space<semaphore_mem>>)
    %dma_wait3A_63 = arith.constant 1 : i32
    %dma_wait3A_64 = arith.constant 128 : i32
    %dma_wait3A_65 = arith.constant 0 : i32
    %dma_wait3A_66 = tpu.memref_slice %arg6[%dma_wait3A_64, %dma_wait3A_65] : memref<512x128xf32, #tpu.memory_space<vmem>> -> memref<128x128xf32, #tpu.memory_space<vmem>>
    %dma_wait3A_67 = arith.constant 0 : i32
    %dma_wait3A_68 = tpu.memref_slice %arg5[%dma_wait3A_63, %dma_wait3A_67] : memref<4x128xi32, #tpu.memory_space<vmem>> -> memref<1x128xi32, #tpu.memory_space<vmem>>
    %dma_wait3A_69 = tpu.memref_squeeze %dma_wait3A_68 : memref<1x128xi32, #tpu.memory_space<vmem>> -> memref<128xi32, #tpu.memory_space<vmem>>
    %dma_wait3A_70 = arith.constant 0 : i32
    %dma_wait3A_71 = arith.constant 0 : i32
    %dma_wait3A_72 = tpu.memref_slice %arg2[%dma_wait3A_70, %dma_wait3A_71] : memref<1000000x128xf32, #tpu.memory_space<hbm>> -> memref<1000000x128xf32, #tpu.memory_space<hbm>>
    tpu.wait_indirect_dma semaphore(%arg8 : memref<!tpu.dma_semaphore, #tpu.memory_space<semaphore_mem>>) src(%dma_wait3A_72 : memref<1000000x128xf32, #tpu.memory_space<hbm>>) dst(%dma_wait3A_66 : memref<128x128xf32, #tpu.memory_space<vmem>>)
    %add3A_73 = arith.constant 128 : i32
    %add3A_74 = arith.addi %mul3A_2, %add3A_73 : i32
    %dma_start3A_75 = arith.constant 128 : i32
    %dma_start3A_76 = arith.constant 0 : i32
    %dma_start3A_77 = tpu.memref_slice %arg6[%dma_start3A_75, %dma_start3A_76] : memref<512x128xf32, #tpu.memory_space<vmem>> -> memref<128x128xf32, #tpu.memory_space<vmem>>
    %dma_start3A_78 = arith.constant 0 : i32
    %dma_start3A_79 = tpu.memref_slice %arg4[%add3A_74, %dma_start3A_78] : memref<16384x128xf32, #tpu.memory_space<hbm>> -> memref<128x128xf32, #tpu.memory_space<hbm>>
    %dma_start3A_80 = arith.constant 0 : i32
    %dma_start3A_81 = tpu.memref_slice %arg4[%add3A_74, %dma_start3A_80] : memref<16384x128xf32, #tpu.memory_space<hbm>> -> memref<128x128xf32, #tpu.memory_space<hbm>>
    %dma_start3A_82 = arith.constant 128 : i32
    %dma_start3A_83 = arith.constant 0 : i32
    %dma_start3A_84 = tpu.memref_slice %arg6[%dma_start3A_82, %dma_start3A_83] : memref<512x128xf32, #tpu.memory_space<vmem>> -> memref<128x128xf32, #tpu.memory_space<vmem>>
    tpu.enqueue_dma source(%dma_start3A_84 : memref<128x128xf32, #tpu.memory_space<vmem>>) target(%dma_start3A_81 : memref<128x128xf32, #tpu.memory_space<hbm>>) target_semaphore(%arg11 : memref<!tpu.dma_semaphore, #tpu.memory_space<semaphore_mem>>)
    %dma_wait3A_85 = arith.constant 2 : i32
    %dma_wait3A_86 = arith.constant 256 : i32
    %dma_wait3A_87 = arith.constant 0 : i32
    %dma_wait3A_88 = tpu.memref_slice %arg6[%dma_wait3A_86, %dma_wait3A_87] : memref<512x128xf32, #tpu.memory_space<vmem>> -> memref<128x128xf32, #tpu.memory_space<vmem>>
    %dma_wait3A_89 = arith.constant 0 : i32
    %dma_wait3A_90 = tpu.memref_slice %arg5[%dma_wait3A_85, %dma_wait3A_89] : memref<4x128xi32, #tpu.memory_space<vmem>> -> memref<1x128xi32, #tpu.memory_space<vmem>>
    %dma_wait3A_91 = tpu.memref_squeeze %dma_wait3A_90 : memref<1x128xi32, #tpu.memory_space<vmem>> -> memref<128xi32, #tpu.memory_space<vmem>>
    %dma_wait3A_92 = arith.constant 0 : i32
    %dma_wait3A_93 = arith.constant 0 : i32
    %dma_wait3A_94 = tpu.memref_slice %arg2[%dma_wait3A_92, %dma_wait3A_93] : memref<1000000x128xf32, #tpu.memory_space<hbm>> -> memref<1000000x128xf32, #tpu.memory_space<hbm>>
    tpu.wait_indirect_dma semaphore(%arg9 : memref<!tpu.dma_semaphore, #tpu.memory_space<semaphore_mem>>) src(%dma_wait3A_94 : memref<1000000x128xf32, #tpu.memory_space<hbm>>) dst(%dma_wait3A_88 : memref<128x128xf32, #tpu.memory_space<vmem>>)
    %add3A_95 = arith.constant 256 : i32
    %add3A_96 = arith.addi %mul3A_2, %add3A_95 : i32
    %dma_start3A_97 = arith.constant 256 : i32
    %dma_start3A_98 = arith.constant 0 : i32
    %dma_start3A_99 = tpu.memref_slice %arg6[%dma_start3A_97, %dma_start3A_98] : memref<512x128xf32, #tpu.memory_space<vmem>> -> memref<128x128xf32, #tpu.memory_space<vmem>>
    %dma_start3A_100 = arith.constant 0 : i32
    %dma_start3A_101 = tpu.memref_slice %arg4[%add3A_96, %dma_start3A_100] : memref<16384x128xf32, #tpu.memory_space<hbm>> -> memref<128x128xf32, #tpu.memory_space<hbm>>
    %dma_start3A_102 = arith.constant 0 : i32
    %dma_start3A_103 = tpu.memref_slice %arg4[%add3A_96, %dma_start3A_102] : memref<16384x128xf32, #tpu.memory_space<hbm>> -> memref<128x128xf32, #tpu.memory_space<hbm>>
    %dma_start3A_104 = arith.constant 256 : i32
    %dma_start3A_105 = arith.constant 0 : i32
    %dma_start3A_106 = tpu.memref_slice %arg6[%dma_start3A_104, %dma_start3A_105] : memref<512x128xf32, #tpu.memory_space<vmem>> -> memref<128x128xf32, #tpu.memory_space<vmem>>
    tpu.enqueue_dma source(%dma_start3A_106 : memref<128x128xf32, #tpu.memory_space<vmem>>) target(%dma_start3A_103 : memref<128x128xf32, #tpu.memory_space<hbm>>) target_semaphore(%arg11 : memref<!tpu.dma_semaphore, #tpu.memory_space<semaphore_mem>>)
    %dma_wait3A_107 = arith.constant 3 : i32
    %dma_wait3A_108 = arith.constant 384 : i32
    %dma_wait3A_109 = arith.constant 0 : i32
    %dma_wait3A_110 = tpu.memref_slice %arg6[%dma_wait3A_108, %dma_wait3A_109] : memref<512x128xf32, #tpu.memory_space<vmem>> -> memref<128x128xf32, #tpu.memory_space<vmem>>
    %dma_wait3A_111 = arith.constant 0 : i32
    %dma_wait3A_112 = tpu.memref_slice %arg5[%dma_wait3A_107, %dma_wait3A_111] : memref<4x128xi32, #tpu.memory_space<vmem>> -> memref<1x128xi32, #tpu.memory_space<vmem>>
    %dma_wait3A_113 = tpu.memref_squeeze %dma_wait3A_112 : memref<1x128xi32, #tpu.memory_space<vmem>> -> memref<128xi32, #tpu.memory_space<vmem>>
    %dma_wait3A_114 = arith.constant 0 : i32
    %dma_wait3A_115 = arith.constant 0 : i32
    %dma_wait3A_116 = tpu.memref_slice %arg2[%dma_wait3A_114, %dma_wait3A_115] : memref<1000000x128xf32, #tpu.memory_space<hbm>> -> memref<1000000x128xf32, #tpu.memory_space<hbm>>
    tpu.wait_indirect_dma semaphore(%arg10 : memref<!tpu.dma_semaphore, #tpu.memory_space<semaphore_mem>>) src(%dma_wait3A_116 : memref<1000000x128xf32, #tpu.memory_space<hbm>>) dst(%dma_wait3A_110 : memref<128x128xf32, #tpu.memory_space<vmem>>)
    %add3A_117 = arith.constant 384 : i32
    %add3A_118 = arith.addi %mul3A_2, %add3A_117 : i32
    %dma_start3A_119 = arith.constant 384 : i32
    %dma_start3A_120 = arith.constant 0 : i32
    %dma_start3A_121 = tpu.memref_slice %arg6[%dma_start3A_119, %dma_start3A_120] : memref<512x128xf32, #tpu.memory_space<vmem>> -> memref<128x128xf32, #tpu.memory_space<vmem>>
    %dma_start3A_122 = arith.constant 0 : i32
    %dma_start3A_123 = tpu.memref_slice %arg4[%add3A_118, %dma_start3A_122] : memref<16384x128xf32, #tpu.memory_space<hbm>> -> memref<128x128xf32, #tpu.memory_space<hbm>>
    %dma_start3A_124 = arith.constant 0 : i32
    %dma_start3A_125 = tpu.memref_slice %arg4[%add3A_118, %dma_start3A_124] : memref<16384x128xf32, #tpu.memory_space<hbm>> -> memref<128x128xf32, #tpu.memory_space<hbm>>
    %dma_start3A_126 = arith.constant 384 : i32
    %dma_start3A_127 = arith.constant 0 : i32
    %dma_start3A_128 = tpu.memref_slice %arg6[%dma_start3A_126, %dma_start3A_127] : memref<512x128xf32, #tpu.memory_space<vmem>> -> memref<128x128xf32, #tpu.memory_space<vmem>>
    tpu.enqueue_dma source(%dma_start3A_128 : memref<128x128xf32, #tpu.memory_space<vmem>>) target(%dma_start3A_125 : memref<128x128xf32, #tpu.memory_space<hbm>>) target_semaphore(%arg11 : memref<!tpu.dma_semaphore, #tpu.memory_space<semaphore_mem>>)
    %dma_wait3A_129 = arith.constant 0 : i32
    %dma_wait3A_130 = arith.constant 0 : i32
    %dma_wait3A_131 = tpu.memref_slice %arg6[%dma_wait3A_129, %dma_wait3A_130] : memref<512x128xf32, #tpu.memory_space<vmem>> -> memref<128x128xf32, #tpu.memory_space<vmem>>
    %dma_wait3A_132 = arith.constant 0 : i32
    %dma_wait3A_133 = tpu.memref_slice %arg4[%add3A_52, %dma_wait3A_132] : memref<16384x128xf32, #tpu.memory_space<hbm>> -> memref<128x128xf32, #tpu.memory_space<hbm>>
    %dma_wait3A_134 = arith.constant 0 : i32
    %dma_wait3A_135 = tpu.memref_slice %arg4[%add3A_52, %dma_wait3A_134] : memref<16384x128xf32, #tpu.memory_space<hbm>> -> memref<128x128xf32, #tpu.memory_space<hbm>>
    %dma_wait3A_136 = arith.constant 0 : i32
    %dma_wait3A_137 = arith.constant 0 : i32
    %dma_wait3A_138 = tpu.memref_slice %arg6[%dma_wait3A_136, %dma_wait3A_137] : memref<512x128xf32, #tpu.memory_space<vmem>> -> memref<128x128xf32, #tpu.memory_space<vmem>>
    tpu.wait_dma2 semaphore(%arg11 : memref<!tpu.dma_semaphore, #tpu.memory_space<semaphore_mem>>) src(%dma_wait3A_138 : memref<128x128xf32, #tpu.memory_space<vmem>>) dst(%dma_wait3A_135 : memref<128x128xf32, #tpu.memory_space<hbm>>)
    %dma_wait3A_139 = arith.constant 128 : i32
    %dma_wait3A_140 = arith.constant 0 : i32
    %dma_wait3A_141 = tpu.memref_slice %arg6[%dma_wait3A_139, %dma_wait3A_140] : memref<512x128xf32, #tpu.memory_space<vmem>> -> memref<128x128xf32, #tpu.memory_space<vmem>>
    %dma_wait3A_142 = arith.constant 0 : i32
    %dma_wait3A_143 = tpu.memref_slice %arg4[%add3A_74, %dma_wait3A_142] : memref<16384x128xf32, #tpu.memory_space<hbm>> -> memref<128x128xf32, #tpu.memory_space<hbm>>
    %dma_wait3A_144 = arith.constant 0 : i32
    %dma_wait3A_145 = tpu.memref_slice %arg4[%add3A_74, %dma_wait3A_144] : memref<16384x128xf32, #tpu.memory_space<hbm>> -> memref<128x128xf32, #tpu.memory_space<hbm>>
    %dma_wait3A_146 = arith.constant 128 : i32
    %dma_wait3A_147 = arith.constant 0 : i32
    %dma_wait3A_148 = tpu.memref_slice %arg6[%dma_wait3A_146, %dma_wait3A_147] : memref<512x128xf32, #tpu.memory_space<vmem>> -> memref<128x128xf32, #tpu.memory_space<vmem>>
    tpu.wait_dma2 semaphore(%arg11 : memref<!tpu.dma_semaphore, #tpu.memory_space<semaphore_mem>>) src(%dma_wait3A_148 : memref<128x128xf32, #tpu.memory_space<vmem>>) dst(%dma_wait3A_145 : memref<128x128xf32, #tpu.memory_space<hbm>>)
    %dma_wait3A_149 = arith.constant 256 : i32
    %dma_wait3A_150 = arith.constant 0 : i32
    %dma_wait3A_151 = tpu.memref_slice %arg6[%dma_wait3A_149, %dma_wait3A_150] : memref<512x128xf32, #tpu.memory_space<vmem>> -> memref<128x128xf32, #tpu.memory_space<vmem>>
    %dma_wait3A_152 = arith.constant 0 : i32
    %dma_wait3A_153 = tpu.memref_slice %arg4[%add3A_96, %dma_wait3A_152] : memref<16384x128xf32, #tpu.memory_space<hbm>> -> memref<128x128xf32, #tpu.memory_space<hbm>>
    %dma_wait3A_154 = arith.constant 0 : i32
    %dma_wait3A_155 = tpu.memref_slice %arg4[%add3A_96, %dma_wait3A_154] : memref<16384x128xf32, #tpu.memory_space<hbm>> -> memref<128x128xf32, #tpu.memory_space<hbm>>
    %dma_wait3A_156 = arith.constant 256 : i32
    %dma_wait3A_157 = arith.constant 0 : i32
    %dma_wait3A_158 = tpu.memref_slice %arg6[%dma_wait3A_156, %dma_wait3A_157] : memref<512x128xf32, #tpu.memory_space<vmem>> -> memref<128x128xf32, #tpu.memory_space<vmem>>
    tpu.wait_dma2 semaphore(%arg11 : memref<!tpu.dma_semaphore, #tpu.memory_space<semaphore_mem>>) src(%dma_wait3A_158 : memref<128x128xf32, #tpu.memory_space<vmem>>) dst(%dma_wait3A_155 : memref<128x128xf32, #tpu.memory_space<hbm>>)
    %dma_wait3A_159 = arith.constant 384 : i32
    %dma_wait3A_160 = arith.constant 0 : i32
    %dma_wait3A_161 = tpu.memref_slice %arg6[%dma_wait3A_159, %dma_wait3A_160] : memref<512x128xf32, #tpu.memory_space<vmem>> -> memref<128x128xf32, #tpu.memory_space<vmem>>
    %dma_wait3A_162 = arith.constant 0 : i32
    %dma_wait3A_163 = tpu.memref_slice %arg4[%add3A_118, %dma_wait3A_162] : memref<16384x128xf32, #tpu.memory_space<hbm>> -> memref<128x128xf32, #tpu.memory_space<hbm>>
    %dma_wait3A_164 = arith.constant 0 : i32
    %dma_wait3A_165 = tpu.memref_slice %arg4[%add3A_118, %dma_wait3A_164] : memref<16384x128xf32, #tpu.memory_space<hbm>> -> memref<128x128xf32, #tpu.memory_space<hbm>>
    %dma_wait3A_166 = arith.constant 384 : i32
    %dma_wait3A_167 = arith.constant 0 : i32
    %dma_wait3A_168 = tpu.memref_slice %arg6[%dma_wait3A_166, %dma_wait3A_167] : memref<512x128xf32, #tpu.memory_space<vmem>> -> memref<128x128xf32, #tpu.memory_space<vmem>>
    tpu.wait_dma2 semaphore(%arg11 : memref<!tpu.dma_semaphore, #tpu.memory_space<semaphore_mem>>) src(%dma_wait3A_168 : memref<128x128xf32, #tpu.memory_space<vmem>>) dst(%dma_wait3A_165 : memref<128x128xf32, #tpu.memory_space<hbm>>)
    return
  }
}

module attributes {stable_mosaic.version = 14 : i64} {
  func.func @_proj_body(%arg0: memref<16384x128xf32, #tpu.memory_space<any>>, %arg1: memref<128x64xf32, #tpu.memory_space<vmem>>, %arg2: memref<1x64xf32, #tpu.memory_space<vmem>>, %arg3: memref<16384x64xf32, #tpu.memory_space<any>>, %arg4: memref<16384x128xf32, #tpu.memory_space<vmem>>, %arg5: memref<16384x64xf32, #tpu.memory_space<vmem>>, %arg6: memref<!tpu.dma_semaphore, #tpu.memory_space<semaphore_mem>>, %arg7: memref<!tpu.dma_semaphore, #tpu.memory_space<semaphore_mem>>, %arg8: memref<!tpu.dma_semaphore, #tpu.memory_space<semaphore_mem>>, %arg9: memref<!tpu.dma_semaphore, #tpu.memory_space<semaphore_mem>>, %arg10: memref<!tpu.dma_semaphore, #tpu.memory_space<semaphore_mem>>, %arg11: memref<!tpu.dma_semaphore, #tpu.memory_space<semaphore_mem>>, %arg12: memref<!tpu.dma_semaphore, #tpu.memory_space<semaphore_mem>>, %arg13: memref<!tpu.dma_semaphore, #tpu.memory_space<semaphore_mem>>, %arg14: memref<!tpu.dma_semaphore, #tpu.memory_space<semaphore_mem>>, %arg15: memref<!tpu.dma_semaphore, #tpu.memory_space<semaphore_mem>>, %arg16: memref<!tpu.dma_semaphore, #tpu.memory_space<semaphore_mem>>, %arg17: memref<!tpu.dma_semaphore, #tpu.memory_space<semaphore_mem>>, %arg18: memref<!tpu.dma_semaphore, #tpu.memory_space<semaphore_mem>>, %arg19: memref<!tpu.dma_semaphore, #tpu.memory_space<semaphore_mem>>, %arg20: memref<!tpu.dma_semaphore, #tpu.memory_space<semaphore_mem>>, %arg21: memref<!tpu.dma_semaphore, #tpu.memory_space<semaphore_mem>>) attributes {dimension_semantics = [], scalar_prefetch = 0 : i64, scratch_operands = 18 : i64, tpu.core_type = #tpu.core_type<tc>} {
    %broadcast_in_dim3A = arith.constant 1.000000e+00 : f32
    %broadcast_in_dim3A_0 = vector.broadcast %broadcast_in_dim3A : f32 to vector<64x64xf32>
    %dma_start3A = arith.constant 0 : i32
    %dma_start3A_1 = arith.constant 0 : i32
    %dma_start3A_2 = tpu.memref_slice %arg4[%dma_start3A, %dma_start3A_1] : memref<16384x128xf32, #tpu.memory_space<vmem>> -> memref<2048x128xf32, #tpu.memory_space<vmem>>
    %dma_start3A_3 = arith.constant 0 : i32
    %dma_start3A_4 = arith.constant 0 : i32
    %dma_start3A_5 = tpu.memref_slice %arg0[%dma_start3A_3, %dma_start3A_4] : memref<16384x128xf32, #tpu.memory_space<any>> -> memref<2048x128xf32, #tpu.memory_space<any>>
    tpu.enqueue_dma source(%dma_start3A_5 : memref<2048x128xf32, #tpu.memory_space<any>>) target(%dma_start3A_2 : memref<2048x128xf32, #tpu.memory_space<vmem>>) target_semaphore(%arg6 : memref<!tpu.dma_semaphore, #tpu.memory_space<semaphore_mem>>)
    %dma_start3A_6 = arith.constant 2048 : i32
    %dma_start3A_7 = arith.constant 0 : i32
    %dma_start3A_8 = tpu.memref_slice %arg4[%dma_start3A_6, %dma_start3A_7] : memref<16384x128xf32, #tpu.memory_space<vmem>> -> memref<2048x128xf32, #tpu.memory_space<vmem>>
    %dma_start3A_9 = arith.constant 2048 : i32
    %dma_start3A_10 = arith.constant 0 : i32
    %dma_start3A_11 = tpu.memref_slice %arg0[%dma_start3A_9, %dma_start3A_10] : memref<16384x128xf32, #tpu.memory_space<any>> -> memref<2048x128xf32, #tpu.memory_space<any>>
    tpu.enqueue_dma source(%dma_start3A_11 : memref<2048x128xf32, #tpu.memory_space<any>>) target(%dma_start3A_8 : memref<2048x128xf32, #tpu.memory_space<vmem>>) target_semaphore(%arg7 : memref<!tpu.dma_semaphore, #tpu.memory_space<semaphore_mem>>)
    %dma_start3A_12 = arith.constant 4096 : i32
    %dma_start3A_13 = arith.constant 0 : i32
    %dma_start3A_14 = tpu.memref_slice %arg4[%dma_start3A_12, %dma_start3A_13] : memref<16384x128xf32, #tpu.memory_space<vmem>> -> memref<2048x128xf32, #tpu.memory_space<vmem>>
    %dma_start3A_15 = arith.constant 4096 : i32
    %dma_start3A_16 = arith.constant 0 : i32
    %dma_start3A_17 = tpu.memref_slice %arg0[%dma_start3A_15, %dma_start3A_16] : memref<16384x128xf32, #tpu.memory_space<any>> -> memref<2048x128xf32, #tpu.memory_space<any>>
    tpu.enqueue_dma source(%dma_start3A_17 : memref<2048x128xf32, #tpu.memory_space<any>>) target(%dma_start3A_14 : memref<2048x128xf32, #tpu.memory_space<vmem>>) target_semaphore(%arg8 : memref<!tpu.dma_semaphore, #tpu.memory_space<semaphore_mem>>)
    %dma_start3A_18 = arith.constant 6144 : i32
    %dma_start3A_19 = arith.constant 0 : i32
    %dma_start3A_20 = tpu.memref_slice %arg4[%dma_start3A_18, %dma_start3A_19] : memref<16384x128xf32, #tpu.memory_space<vmem>> -> memref<2048x128xf32, #tpu.memory_space<vmem>>
    %dma_start3A_21 = arith.constant 6144 : i32
    %dma_start3A_22 = arith.constant 0 : i32
    %dma_start3A_23 = tpu.memref_slice %arg0[%dma_start3A_21, %dma_start3A_22] : memref<16384x128xf32, #tpu.memory_space<any>> -> memref<2048x128xf32, #tpu.memory_space<any>>
    tpu.enqueue_dma source(%dma_start3A_23 : memref<2048x128xf32, #tpu.memory_space<any>>) target(%dma_start3A_20 : memref<2048x128xf32, #tpu.memory_space<vmem>>) target_semaphore(%arg9 : memref<!tpu.dma_semaphore, #tpu.memory_space<semaphore_mem>>)
    %dma_start3A_24 = arith.constant 8192 : i32
    %dma_start3A_25 = arith.constant 0 : i32
    %dma_start3A_26 = tpu.memref_slice %arg4[%dma_start3A_24, %dma_start3A_25] : memref<16384x128xf32, #tpu.memory_space<vmem>> -> memref<2048x128xf32, #tpu.memory_space<vmem>>
    %dma_start3A_27 = arith.constant 8192 : i32
    %dma_start3A_28 = arith.constant 0 : i32
    %dma_start3A_29 = tpu.memref_slice %arg0[%dma_start3A_27, %dma_start3A_28] : memref<16384x128xf32, #tpu.memory_space<any>> -> memref<2048x128xf32, #tpu.memory_space<any>>
    tpu.enqueue_dma source(%dma_start3A_29 : memref<2048x128xf32, #tpu.memory_space<any>>) target(%dma_start3A_26 : memref<2048x128xf32, #tpu.memory_space<vmem>>) target_semaphore(%arg10 : memref<!tpu.dma_semaphore, #tpu.memory_space<semaphore_mem>>)
    %dma_start3A_30 = arith.constant 10240 : i32
    %dma_start3A_31 = arith.constant 0 : i32
    %dma_start3A_32 = tpu.memref_slice %arg4[%dma_start3A_30, %dma_start3A_31] : memref<16384x128xf32, #tpu.memory_space<vmem>> -> memref<2048x128xf32, #tpu.memory_space<vmem>>
    %dma_start3A_33 = arith.constant 10240 : i32
    %dma_start3A_34 = arith.constant 0 : i32
    %dma_start3A_35 = tpu.memref_slice %arg0[%dma_start3A_33, %dma_start3A_34] : memref<16384x128xf32, #tpu.memory_space<any>> -> memref<2048x128xf32, #tpu.memory_space<any>>
    tpu.enqueue_dma source(%dma_start3A_35 : memref<2048x128xf32, #tpu.memory_space<any>>) target(%dma_start3A_32 : memref<2048x128xf32, #tpu.memory_space<vmem>>) target_semaphore(%arg11 : memref<!tpu.dma_semaphore, #tpu.memory_space<semaphore_mem>>)
    %dma_start3A_36 = arith.constant 12288 : i32
    %dma_start3A_37 = arith.constant 0 : i32
    %dma_start3A_38 = tpu.memref_slice %arg4[%dma_start3A_36, %dma_start3A_37] : memref<16384x128xf32, #tpu.memory_space<vmem>> -> memref<2048x128xf32, #tpu.memory_space<vmem>>
    %dma_start3A_39 = arith.constant 12288 : i32
    %dma_start3A_40 = arith.constant 0 : i32
    %dma_start3A_41 = tpu.memref_slice %arg0[%dma_start3A_39, %dma_start3A_40] : memref<16384x128xf32, #tpu.memory_space<any>> -> memref<2048x128xf32, #tpu.memory_space<any>>
    tpu.enqueue_dma source(%dma_start3A_41 : memref<2048x128xf32, #tpu.memory_space<any>>) target(%dma_start3A_38 : memref<2048x128xf32, #tpu.memory_space<vmem>>) target_semaphore(%arg12 : memref<!tpu.dma_semaphore, #tpu.memory_space<semaphore_mem>>)
    %dma_start3A_42 = arith.constant 14336 : i32
    %dma_start3A_43 = arith.constant 0 : i32
    %dma_start3A_44 = tpu.memref_slice %arg4[%dma_start3A_42, %dma_start3A_43] : memref<16384x128xf32, #tpu.memory_space<vmem>> -> memref<2048x128xf32, #tpu.memory_space<vmem>>
    %dma_start3A_45 = arith.constant 14336 : i32
    %dma_start3A_46 = arith.constant 0 : i32
    %dma_start3A_47 = tpu.memref_slice %arg0[%dma_start3A_45, %dma_start3A_46] : memref<16384x128xf32, #tpu.memory_space<any>> -> memref<2048x128xf32, #tpu.memory_space<any>>
    tpu.enqueue_dma source(%dma_start3A_47 : memref<2048x128xf32, #tpu.memory_space<any>>) target(%dma_start3A_44 : memref<2048x128xf32, #tpu.memory_space<vmem>>) target_semaphore(%arg13 : memref<!tpu.dma_semaphore, #tpu.memory_space<semaphore_mem>>)
    %dma_wait3A = arith.constant 0 : i32
    %dma_wait3A_48 = arith.constant 0 : i32
    %dma_wait3A_49 = tpu.memref_slice %arg4[%dma_wait3A, %dma_wait3A_48] : memref<16384x128xf32, #tpu.memory_space<vmem>> -> memref<2048x128xf32, #tpu.memory_space<vmem>>
    %dma_wait3A_50 = arith.constant 0 : i32
    %dma_wait3A_51 = arith.constant 0 : i32
    %dma_wait3A_52 = tpu.memref_slice %arg0[%dma_wait3A_50, %dma_wait3A_51] : memref<16384x128xf32, #tpu.memory_space<any>> -> memref<2048x128xf32, #tpu.memory_space<any>>
    tpu.wait_dma2 semaphore(%arg6 : memref<!tpu.dma_semaphore, #tpu.memory_space<semaphore_mem>>) src(%dma_wait3A_52 : memref<2048x128xf32, #tpu.memory_space<any>>) dst(%dma_wait3A_49 : memref<2048x128xf32, #tpu.memory_space<vmem>>)
    %get3A = arith.constant 0 : index
    %get3A_53 = arith.constant 0 : index
    %get3A_54 = vector.load %arg4[%get3A, %get3A_53] : memref<16384x128xf32, #tpu.memory_space<vmem>>, vector<2048x128xf32>
    %get3A_55 = arith.constant 0 : index
    %get3A_56 = arith.constant 0 : index
    %get3A_57 = vector.load %arg1[%get3A_55, %get3A_56] : memref<128x64xf32, #tpu.memory_space<vmem>>, vector<128x64xf32>
    %dot_general3A = arith.constant dense<0.000000e+00> : vector<2048x64xf32>
    %dot_general3A_58 = tpu.matmul %get3A_54, %get3A_57, %dot_general3A {dimension_numbers = #tpu.dot_dimension_numbers<[1], [0], [0], [1], [0, 0, 1, 1], [], []>, transpose_lhs_hint = false} : vector<2048x128xf32>, vector<128x64xf32>, vector<2048x64xf32> -> vector<2048x64xf32>
    %get3A_59 = arith.constant 0 : index
    %get3A_60 = arith.constant 0 : index
    %get3A_61 = vector.load %arg2[%get3A_59, %get3A_60] : memref<1x64xf32, #tpu.memory_space<vmem>>, vector<1x64xf32>
    %add3A = vector.broadcast %get3A_61 : vector<1x64xf32> to vector<2048x64xf32>
    %add3A_62 = arith.addf %dot_general3A_58, %add3A : vector<2048x64xf32>
    %mul3A = arith.mulf %add3A_62, %add3A_62 : vector<2048x64xf32>
    %dot_general3A_63 = arith.constant dense<0.000000e+00> : vector<2048x64xf32>
    %dot_general3A_64 = tpu.matmul %mul3A, %broadcast_in_dim3A_0, %dot_general3A_63 {dimension_numbers = #tpu.dot_dimension_numbers<[1], [0], [0], [1], [0, 0, 1, 1], [], []>, transpose_lhs_hint = false} : vector<2048x64xf32>, vector<64x64xf32>, vector<2048x64xf32> -> vector<2048x64xf32>
    %max3A = arith.constant 1.000000e-24 : f32
    %max3A_65 = vector.broadcast %max3A : f32 to vector<2048x64xf32>
    %max3A_66 = arith.maximumf %dot_general3A_64, %max3A_65 : vector<2048x64xf32>
    %sqrt3A = math.sqrt %max3A_66 : vector<2048x64xf32>
    %div3A = arith.divf %add3A_62, %sqrt3A : vector<2048x64xf32>
    %swap3A = arith.constant 0 : index
    %swap3A_67 = arith.constant 0 : index
    %swap3A_68 = vector.load %arg5[%swap3A, %swap3A_67] : memref<16384x64xf32, #tpu.memory_space<vmem>>, vector<2048x64xf32>
    tpu.vector_store %arg5[%swap3A, %swap3A_67], %div3A {strides = array<i32>} : memref<16384x64xf32, #tpu.memory_space<vmem>>, vector<2048x64xf32>,
    %dma_start3A_69 = arith.constant 0 : i32
    %dma_start3A_70 = arith.constant 0 : i32
    %dma_start3A_71 = tpu.memref_slice %arg3[%dma_start3A_69, %dma_start3A_70] : memref<16384x64xf32, #tpu.memory_space<any>> -> memref<2048x64xf32, #tpu.memory_space<any>>
    %dma_start3A_72 = arith.constant 0 : i32
    %dma_start3A_73 = arith.constant 0 : i32
    %dma_start3A_74 = tpu.memref_slice %arg5[%dma_start3A_72, %dma_start3A_73] : memref<16384x64xf32, #tpu.memory_space<vmem>> -> memref<2048x64xf32, #tpu.memory_space<vmem>>
    tpu.enqueue_dma source(%dma_start3A_74 : memref<2048x64xf32, #tpu.memory_space<vmem>>) target(%dma_start3A_71 : memref<2048x64xf32, #tpu.memory_space<any>>) target_semaphore(%arg14 : memref<!tpu.dma_semaphore, #tpu.memory_space<semaphore_mem>>)
    %dma_wait3A_75 = arith.constant 2048 : i32
    %dma_wait3A_76 = arith.constant 0 : i32
    %dma_wait3A_77 = tpu.memref_slice %arg4[%dma_wait3A_75, %dma_wait3A_76] : memref<16384x128xf32, #tpu.memory_space<vmem>> -> memref<2048x128xf32, #tpu.memory_space<vmem>>
    %dma_wait3A_78 = arith.constant 2048 : i32
    %dma_wait3A_79 = arith.constant 0 : i32
    %dma_wait3A_80 = tpu.memref_slice %arg0[%dma_wait3A_78, %dma_wait3A_79] : memref<16384x128xf32, #tpu.memory_space<any>> -> memref<2048x128xf32, #tpu.memory_space<any>>
    tpu.wait_dma2 semaphore(%arg7 : memref<!tpu.dma_semaphore, #tpu.memory_space<semaphore_mem>>) src(%dma_wait3A_80 : memref<2048x128xf32, #tpu.memory_space<any>>) dst(%dma_wait3A_77 : memref<2048x128xf32, #tpu.memory_space<vmem>>)
    %get3A_81 = arith.constant 2048 : index
    %get3A_82 = arith.constant 0 : index
    %get3A_83 = vector.load %arg4[%get3A_81, %get3A_82] : memref<16384x128xf32, #tpu.memory_space<vmem>>, vector<2048x128xf32>
    %get3A_84 = arith.constant 0 : index
    %get3A_85 = arith.constant 0 : index
    %get3A_86 = vector.load %arg1[%get3A_84, %get3A_85] : memref<128x64xf32, #tpu.memory_space<vmem>>, vector<128x64xf32>
    %dot_general3A_87 = arith.constant dense<0.000000e+00> : vector<2048x64xf32>
    %dot_general3A_88 = tpu.matmul %get3A_83, %get3A_86, %dot_general3A_87 {dimension_numbers = #tpu.dot_dimension_numbers<[1], [0], [0], [1], [0, 0, 1, 1], [], []>, transpose_lhs_hint = false} : vector<2048x128xf32>, vector<128x64xf32>, vector<2048x64xf32> -> vector<2048x64xf32>
    %get3A_89 = arith.constant 0 : index
    %get3A_90 = arith.constant 0 : index
    %get3A_91 = vector.load %arg2[%get3A_89, %get3A_90] : memref<1x64xf32, #tpu.memory_space<vmem>>, vector<1x64xf32>
    %add3A_92 = vector.broadcast %get3A_91 : vector<1x64xf32> to vector<2048x64xf32>
    %add3A_93 = arith.addf %dot_general3A_88, %add3A_92 : vector<2048x64xf32>
    %mul3A_94 = arith.mulf %add3A_93, %add3A_93 : vector<2048x64xf32>
    %dot_general3A_95 = arith.constant dense<0.000000e+00> : vector<2048x64xf32>
    %dot_general3A_96 = tpu.matmul %mul3A_94, %broadcast_in_dim3A_0, %dot_general3A_95 {dimension_numbers = #tpu.dot_dimension_numbers<[1], [0], [0], [1], [0, 0, 1, 1], [], []>, transpose_lhs_hint = false} : vector<2048x64xf32>, vector<64x64xf32>, vector<2048x64xf32> -> vector<2048x64xf32>
    %max3A_97 = arith.constant 1.000000e-24 : f32
    %max3A_98 = vector.broadcast %max3A_97 : f32 to vector<2048x64xf32>
    %max3A_99 = arith.maximumf %dot_general3A_96, %max3A_98 : vector<2048x64xf32>
    %sqrt3A_100 = math.sqrt %max3A_99 : vector<2048x64xf32>
    %div3A_101 = arith.divf %add3A_93, %sqrt3A_100 : vector<2048x64xf32>
    %swap3A_102 = arith.constant 2048 : index
    %swap3A_103 = arith.constant 0 : index
    %swap3A_104 = vector.load %arg5[%swap3A_102, %swap3A_103] : memref<16384x64xf32, #tpu.memory_space<vmem>>, vector<2048x64xf32>
    tpu.vector_store %arg5[%swap3A_102, %swap3A_103], %div3A_101 {strides = array<i32>} : memref<16384x64xf32, #tpu.memory_space<vmem>>, vector<2048x64xf32>,
    %dma_start3A_105 = arith.constant 2048 : i32
    %dma_start3A_106 = arith.constant 0 : i32
    %dma_start3A_107 = tpu.memref_slice %arg3[%dma_start3A_105, %dma_start3A_106] : memref<16384x64xf32, #tpu.memory_space<any>> -> memref<2048x64xf32, #tpu.memory_space<any>>
    %dma_start3A_108 = arith.constant 2048 : i32
    %dma_start3A_109 = arith.constant 0 : i32
    %dma_start3A_110 = tpu.memref_slice %arg5[%dma_start3A_108, %dma_start3A_109] : memref<16384x64xf32, #tpu.memory_space<vmem>> -> memref<2048x64xf32, #tpu.memory_space<vmem>>
    tpu.enqueue_dma source(%dma_start3A_110 : memref<2048x64xf32, #tpu.memory_space<vmem>>) target(%dma_start3A_107 : memref<2048x64xf32, #tpu.memory_space<any>>) target_semaphore(%arg15 : memref<!tpu.dma_semaphore, #tpu.memory_space<semaphore_mem>>)
    %dma_wait3A_111 = arith.constant 4096 : i32
    %dma_wait3A_112 = arith.constant 0 : i32
    %dma_wait3A_113 = tpu.memref_slice %arg4[%dma_wait3A_111, %dma_wait3A_112] : memref<16384x128xf32, #tpu.memory_space<vmem>> -> memref<2048x128xf32, #tpu.memory_space<vmem>>
    %dma_wait3A_114 = arith.constant 4096 : i32
    %dma_wait3A_115 = arith.constant 0 : i32
    %dma_wait3A_116 = tpu.memref_slice %arg0[%dma_wait3A_114, %dma_wait3A_115] : memref<16384x128xf32, #tpu.memory_space<any>> -> memref<2048x128xf32, #tpu.memory_space<any>>
    tpu.wait_dma2 semaphore(%arg8 : memref<!tpu.dma_semaphore, #tpu.memory_space<semaphore_mem>>) src(%dma_wait3A_116 : memref<2048x128xf32, #tpu.memory_space<any>>) dst(%dma_wait3A_113 : memref<2048x128xf32, #tpu.memory_space<vmem>>)
    %get3A_117 = arith.constant 4096 : index
    %get3A_118 = arith.constant 0 : index
    %get3A_119 = vector.load %arg4[%get3A_117, %get3A_118] : memref<16384x128xf32, #tpu.memory_space<vmem>>, vector<2048x128xf32>
    %get3A_120 = arith.constant 0 : index
    %get3A_121 = arith.constant 0 : index
    %get3A_122 = vector.load %arg1[%get3A_120, %get3A_121] : memref<128x64xf32, #tpu.memory_space<vmem>>, vector<128x64xf32>
    %dot_general3A_123 = arith.constant dense<0.000000e+00> : vector<2048x64xf32>
    %dot_general3A_124 = tpu.matmul %get3A_119, %get3A_122, %dot_general3A_123 {dimension_numbers = #tpu.dot_dimension_numbers<[1], [0], [0], [1], [0, 0, 1, 1], [], []>, transpose_lhs_hint = false} : vector<2048x128xf32>, vector<128x64xf32>, vector<2048x64xf32> -> vector<2048x64xf32>
    %get3A_125 = arith.constant 0 : index
    %get3A_126 = arith.constant 0 : index
    %get3A_127 = vector.load %arg2[%get3A_125, %get3A_126] : memref<1x64xf32, #tpu.memory_space<vmem>>, vector<1x64xf32>
    %add3A_128 = vector.broadcast %get3A_127 : vector<1x64xf32> to vector<2048x64xf32>
    %add3A_129 = arith.addf %dot_general3A_124, %add3A_128 : vector<2048x64xf32>
    %mul3A_130 = arith.mulf %add3A_129, %add3A_129 : vector<2048x64xf32>
    %dot_general3A_131 = arith.constant dense<0.000000e+00> : vector<2048x64xf32>
    %dot_general3A_132 = tpu.matmul %mul3A_130, %broadcast_in_dim3A_0, %dot_general3A_131 {dimension_numbers = #tpu.dot_dimension_numbers<[1], [0], [0], [1], [0, 0, 1, 1], [], []>, transpose_lhs_hint = false} : vector<2048x64xf32>, vector<64x64xf32>, vector<2048x64xf32> -> vector<2048x64xf32>
    %max3A_133 = arith.constant 1.000000e-24 : f32
    %max3A_134 = vector.broadcast %max3A_133 : f32 to vector<2048x64xf32>
    %max3A_135 = arith.maximumf %dot_general3A_132, %max3A_134 : vector<2048x64xf32>
    %sqrt3A_136 = math.sqrt %max3A_135 : vector<2048x64xf32>
    %div3A_137 = arith.divf %add3A_129, %sqrt3A_136 : vector<2048x64xf32>
    %swap3A_138 = arith.constant 4096 : index
    %swap3A_139 = arith.constant 0 : index
    %swap3A_140 = vector.load %arg5[%swap3A_138, %swap3A_139] : memref<16384x64xf32, #tpu.memory_space<vmem>>, vector<2048x64xf32>
    tpu.vector_store %arg5[%swap3A_138, %swap3A_139], %div3A_137 {strides = array<i32>} : memref<16384x64xf32, #tpu.memory_space<vmem>>, vector<2048x64xf32>,
    %dma_start3A_141 = arith.constant 4096 : i32
    %dma_start3A_142 = arith.constant 0 : i32
    %dma_start3A_143 = tpu.memref_slice %arg3[%dma_start3A_141, %dma_start3A_142] : memref<16384x64xf32, #tpu.memory_space<any>> -> memref<2048x64xf32, #tpu.memory_space<any>>
    %dma_start3A_144 = arith.constant 4096 : i32
    %dma_start3A_145 = arith.constant 0 : i32
    %dma_start3A_146 = tpu.memref_slice %arg5[%dma_start3A_144, %dma_start3A_145] : memref<16384x64xf32, #tpu.memory_space<vmem>> -> memref<2048x64xf32, #tpu.memory_space<vmem>>
    tpu.enqueue_dma source(%dma_start3A_146 : memref<2048x64xf32, #tpu.memory_space<vmem>>) target(%dma_start3A_143 : memref<2048x64xf32, #tpu.memory_space<any>>) target_semaphore(%arg16 : memref<!tpu.dma_semaphore, #tpu.memory_space<semaphore_mem>>)
    %dma_wait3A_147 = arith.constant 6144 : i32
    %dma_wait3A_148 = arith.constant 0 : i32
    %dma_wait3A_149 = tpu.memref_slice %arg4[%dma_wait3A_147, %dma_wait3A_148] : memref<16384x128xf32, #tpu.memory_space<vmem>> -> memref<2048x128xf32, #tpu.memory_space<vmem>>
    %dma_wait3A_150 = arith.constant 6144 : i32
    %dma_wait3A_151 = arith.constant 0 : i32
    %dma_wait3A_152 = tpu.memref_slice %arg0[%dma_wait3A_150, %dma_wait3A_151] : memref<16384x128xf32, #tpu.memory_space<any>> -> memref<2048x128xf32, #tpu.memory_space<any>>
    tpu.wait_dma2 semaphore(%arg9 : memref<!tpu.dma_semaphore, #tpu.memory_space<semaphore_mem>>) src(%dma_wait3A_152 : memref<2048x128xf32, #tpu.memory_space<any>>) dst(%dma_wait3A_149 : memref<2048x128xf32, #tpu.memory_space<vmem>>)
    %get3A_153 = arith.constant 6144 : index
    %get3A_154 = arith.constant 0 : index
    %get3A_155 = vector.load %arg4[%get3A_153, %get3A_154] : memref<16384x128xf32, #tpu.memory_space<vmem>>, vector<2048x128xf32>
    %get3A_156 = arith.constant 0 : index
    %get3A_157 = arith.constant 0 : index
    %get3A_158 = vector.load %arg1[%get3A_156, %get3A_157] : memref<128x64xf32, #tpu.memory_space<vmem>>, vector<128x64xf32>
    %dot_general3A_159 = arith.constant dense<0.000000e+00> : vector<2048x64xf32>
    %dot_general3A_160 = tpu.matmul %get3A_155, %get3A_158, %dot_general3A_159 {dimension_numbers = #tpu.dot_dimension_numbers<[1], [0], [0], [1], [0, 0, 1, 1], [], []>, transpose_lhs_hint = false} : vector<2048x128xf32>, vector<128x64xf32>, vector<2048x64xf32> -> vector<2048x64xf32>
    %get3A_161 = arith.constant 0 : index
    %get3A_162 = arith.constant 0 : index
    %get3A_163 = vector.load %arg2[%get3A_161, %get3A_162] : memref<1x64xf32, #tpu.memory_space<vmem>>, vector<1x64xf32>
    %add3A_164 = vector.broadcast %get3A_163 : vector<1x64xf32> to vector<2048x64xf32>
    %add3A_165 = arith.addf %dot_general3A_160, %add3A_164 : vector<2048x64xf32>
    %mul3A_166 = arith.mulf %add3A_165, %add3A_165 : vector<2048x64xf32>
    %dot_general3A_167 = arith.constant dense<0.000000e+00> : vector<2048x64xf32>
    %dot_general3A_168 = tpu.matmul %mul3A_166, %broadcast_in_dim3A_0, %dot_general3A_167 {dimension_numbers = #tpu.dot_dimension_numbers<[1], [0], [0], [1], [0, 0, 1, 1], [], []>, transpose_lhs_hint = false} : vector<2048x64xf32>, vector<64x64xf32>, vector<2048x64xf32> -> vector<2048x64xf32>
    %max3A_169 = arith.constant 1.000000e-24 : f32
    %max3A_170 = vector.broadcast %max3A_169 : f32 to vector<2048x64xf32>
    %max3A_171 = arith.maximumf %dot_general3A_168, %max3A_170 : vector<2048x64xf32>
    %sqrt3A_172 = math.sqrt %max3A_171 : vector<2048x64xf32>
    %div3A_173 = arith.divf %add3A_165, %sqrt3A_172 : vector<2048x64xf32>
    %swap3A_174 = arith.constant 6144 : index
    %swap3A_175 = arith.constant 0 : index
    %swap3A_176 = vector.load %arg5[%swap3A_174, %swap3A_175] : memref<16384x64xf32, #tpu.memory_space<vmem>>, vector<2048x64xf32>
    tpu.vector_store %arg5[%swap3A_174, %swap3A_175], %div3A_173 {strides = array<i32>} : memref<16384x64xf32, #tpu.memory_space<vmem>>, vector<2048x64xf32>,
    %dma_start3A_177 = arith.constant 6144 : i32
    %dma_start3A_178 = arith.constant 0 : i32
    %dma_start3A_179 = tpu.memref_slice %arg3[%dma_start3A_177, %dma_start3A_178] : memref<16384x64xf32, #tpu.memory_space<any>> -> memref<2048x64xf32, #tpu.memory_space<any>>
    %dma_start3A_180 = arith.constant 6144 : i32
    %dma_start3A_181 = arith.constant 0 : i32
    %dma_start3A_182 = tpu.memref_slice %arg5[%dma_start3A_180, %dma_start3A_181] : memref<16384x64xf32, #tpu.memory_space<vmem>> -> memref<2048x64xf32, #tpu.memory_space<vmem>>
    tpu.enqueue_dma source(%dma_start3A_182 : memref<2048x64xf32, #tpu.memory_space<vmem>>) target(%dma_start3A_179 : memref<2048x64xf32, #tpu.memory_space<any>>) target_semaphore(%arg17 : memref<!tpu.dma_semaphore, #tpu.memory_space<semaphore_mem>>)
    %dma_wait3A_183 = arith.constant 8192 : i32
    %dma_wait3A_184 = arith.constant 0 : i32
    %dma_wait3A_185 = tpu.memref_slice %arg4[%dma_wait3A_183, %dma_wait3A_184] : memref<16384x128xf32, #tpu.memory_space<vmem>> -> memref<2048x128xf32, #tpu.memory_space<vmem>>
    %dma_wait3A_186 = arith.constant 8192 : i32
    %dma_wait3A_187 = arith.constant 0 : i32
    %dma_wait3A_188 = tpu.memref_slice %arg0[%dma_wait3A_186, %dma_wait3A_187] : memref<16384x128xf32, #tpu.memory_space<any>> -> memref<2048x128xf32, #tpu.memory_space<any>>
    tpu.wait_dma2 semaphore(%arg10 : memref<!tpu.dma_semaphore, #tpu.memory_space<semaphore_mem>>) src(%dma_wait3A_188 : memref<2048x128xf32, #tpu.memory_space<any>>) dst(%dma_wait3A_185 : memref<2048x128xf32, #tpu.memory_space<vmem>>)
    %get3A_189 = arith.constant 8192 : index
    %get3A_190 = arith.constant 0 : index
    %get3A_191 = vector.load %arg4[%get3A_189, %get3A_190] : memref<16384x128xf32, #tpu.memory_space<vmem>>, vector<2048x128xf32>
    %get3A_192 = arith.constant 0 : index
    %get3A_193 = arith.constant 0 : index
    %get3A_194 = vector.load %arg1[%get3A_192, %get3A_193] : memref<128x64xf32, #tpu.memory_space<vmem>>, vector<128x64xf32>
    %dot_general3A_195 = arith.constant dense<0.000000e+00> : vector<2048x64xf32>
    %dot_general3A_196 = tpu.matmul %get3A_191, %get3A_194, %dot_general3A_195 {dimension_numbers = #tpu.dot_dimension_numbers<[1], [0], [0], [1], [0, 0, 1, 1], [], []>, transpose_lhs_hint = false} : vector<2048x128xf32>, vector<128x64xf32>, vector<2048x64xf32> -> vector<2048x64xf32>
    %get3A_197 = arith.constant 0 : index
    %get3A_198 = arith.constant 0 : index
    %get3A_199 = vector.load %arg2[%get3A_197, %get3A_198] : memref<1x64xf32, #tpu.memory_space<vmem>>, vector<1x64xf32>
    %add3A_200 = vector.broadcast %get3A_199 : vector<1x64xf32> to vector<2048x64xf32>
    %add3A_201 = arith.addf %dot_general3A_196, %add3A_200 : vector<2048x64xf32>
    %mul3A_202 = arith.mulf %add3A_201, %add3A_201 : vector<2048x64xf32>
    %dot_general3A_203 = arith.constant dense<0.000000e+00> : vector<2048x64xf32>
    %dot_general3A_204 = tpu.matmul %mul3A_202, %broadcast_in_dim3A_0, %dot_general3A_203 {dimension_numbers = #tpu.dot_dimension_numbers<[1], [0], [0], [1], [0, 0, 1, 1], [], []>, transpose_lhs_hint = false} : vector<2048x64xf32>, vector<64x64xf32>, vector<2048x64xf32> -> vector<2048x64xf32>
    %max3A_205 = arith.constant 1.000000e-24 : f32
    %max3A_206 = vector.broadcast %max3A_205 : f32 to vector<2048x64xf32>
    %max3A_207 = arith.maximumf %dot_general3A_204, %max3A_206 : vector<2048x64xf32>
    %sqrt3A_208 = math.sqrt %max3A_207 : vector<2048x64xf32>
    %div3A_209 = arith.divf %add3A_201, %sqrt3A_208 : vector<2048x64xf32>
    %swap3A_210 = arith.constant 8192 : index
    %swap3A_211 = arith.constant 0 : index
    %swap3A_212 = vector.load %arg5[%swap3A_210, %swap3A_211] : memref<16384x64xf32, #tpu.memory_space<vmem>>, vector<2048x64xf32>
    tpu.vector_store %arg5[%swap3A_210, %swap3A_211], %div3A_209 {strides = array<i32>} : memref<16384x64xf32, #tpu.memory_space<vmem>>, vector<2048x64xf32>,
    %dma_start3A_213 = arith.constant 8192 : i32
    %dma_start3A_214 = arith.constant 0 : i32
    %dma_start3A_215 = tpu.memref_slice %arg3[%dma_start3A_213, %dma_start3A_214] : memref<16384x64xf32, #tpu.memory_space<any>> -> memref<2048x64xf32, #tpu.memory_space<any>>
    %dma_start3A_216 = arith.constant 8192 : i32
    %dma_start3A_217 = arith.constant 0 : i32
    %dma_start3A_218 = tpu.memref_slice %arg5[%dma_start3A_216, %dma_start3A_217] : memref<16384x64xf32, #tpu.memory_space<vmem>> -> memref<2048x64xf32, #tpu.memory_space<vmem>>
    tpu.enqueue_dma source(%dma_start3A_218 : memref<2048x64xf32, #tpu.memory_space<vmem>>) target(%dma_start3A_215 : memref<2048x64xf32, #tpu.memory_space<any>>) target_semaphore(%arg18 : memref<!tpu.dma_semaphore, #tpu.memory_space<semaphore_mem>>)
    %dma_wait3A_219 = arith.constant 10240 : i32
    %dma_wait3A_220 = arith.constant 0 : i32
    %dma_wait3A_221 = tpu.memref_slice %arg4[%dma_wait3A_219, %dma_wait3A_220] : memref<16384x128xf32, #tpu.memory_space<vmem>> -> memref<2048x128xf32, #tpu.memory_space<vmem>>
    %dma_wait3A_222 = arith.constant 10240 : i32
    %dma_wait3A_223 = arith.constant 0 : i32
    %dma_wait3A_224 = tpu.memref_slice %arg0[%dma_wait3A_222, %dma_wait3A_223] : memref<16384x128xf32, #tpu.memory_space<any>> -> memref<2048x128xf32, #tpu.memory_space<any>>
    tpu.wait_dma2 semaphore(%arg11 : memref<!tpu.dma_semaphore, #tpu.memory_space<semaphore_mem>>) src(%dma_wait3A_224 : memref<2048x128xf32, #tpu.memory_space<any>>) dst(%dma_wait3A_221 : memref<2048x128xf32, #tpu.memory_space<vmem>>)
    %get3A_225 = arith.constant 10240 : index
    %get3A_226 = arith.constant 0 : index
    %get3A_227 = vector.load %arg4[%get3A_225, %get3A_226] : memref<16384x128xf32, #tpu.memory_space<vmem>>, vector<2048x128xf32>
    %get3A_228 = arith.constant 0 : index
    %get3A_229 = arith.constant 0 : index
    %get3A_230 = vector.load %arg1[%get3A_228, %get3A_229] : memref<128x64xf32, #tpu.memory_space<vmem>>, vector<128x64xf32>
    %dot_general3A_231 = arith.constant dense<0.000000e+00> : vector<2048x64xf32>
    %dot_general3A_232 = tpu.matmul %get3A_227, %get3A_230, %dot_general3A_231 {dimension_numbers = #tpu.dot_dimension_numbers<[1], [0], [0], [1], [0, 0, 1, 1], [], []>, transpose_lhs_hint = false} : vector<2048x128xf32>, vector<128x64xf32>, vector<2048x64xf32> -> vector<2048x64xf32>
    %get3A_233 = arith.constant 0 : index
    %get3A_234 = arith.constant 0 : index
    %get3A_235 = vector.load %arg2[%get3A_233, %get3A_234] : memref<1x64xf32, #tpu.memory_space<vmem>>, vector<1x64xf32>
    %add3A_236 = vector.broadcast %get3A_235 : vector<1x64xf32> to vector<2048x64xf32>
    %add3A_237 = arith.addf %dot_general3A_232, %add3A_236 : vector<2048x64xf32>
    %mul3A_238 = arith.mulf %add3A_237, %add3A_237 : vector<2048x64xf32>
    %dot_general3A_239 = arith.constant dense<0.000000e+00> : vector<2048x64xf32>
    %dot_general3A_240 = tpu.matmul %mul3A_238, %broadcast_in_dim3A_0, %dot_general3A_239 {dimension_numbers = #tpu.dot_dimension_numbers<[1], [0], [0], [1], [0, 0, 1, 1], [], []>, transpose_lhs_hint = false} : vector<2048x64xf32>, vector<64x64xf32>, vector<2048x64xf32> -> vector<2048x64xf32>
    %max3A_241 = arith.constant 1.000000e-24 : f32
    %max3A_242 = vector.broadcast %max3A_241 : f32 to vector<2048x64xf32>
    %max3A_243 = arith.maximumf %dot_general3A_240, %max3A_242 : vector<2048x64xf32>
    %sqrt3A_244 = math.sqrt %max3A_243 : vector<2048x64xf32>
    %div3A_245 = arith.divf %add3A_237, %sqrt3A_244 : vector<2048x64xf32>
    %swap3A_246 = arith.constant 10240 : index
    %swap3A_247 = arith.constant 0 : index
    %swap3A_248 = vector.load %arg5[%swap3A_246, %swap3A_247] : memref<16384x64xf32, #tpu.memory_space<vmem>>, vector<2048x64xf32>
    tpu.vector_store %arg5[%swap3A_246, %swap3A_247], %div3A_245 {strides = array<i32>} : memref<16384x64xf32, #tpu.memory_space<vmem>>, vector<2048x64xf32>,
    %dma_start3A_249 = arith.constant 10240 : i32
    %dma_start3A_250 = arith.constant 0 : i32
    %dma_start3A_251 = tpu.memref_slice %arg3[%dma_start3A_249, %dma_start3A_250] : memref<16384x64xf32, #tpu.memory_space<any>> -> memref<2048x64xf32, #tpu.memory_space<any>>
    %dma_start3A_252 = arith.constant 10240 : i32
    %dma_start3A_253 = arith.constant 0 : i32
    %dma_start3A_254 = tpu.memref_slice %arg5[%dma_start3A_252, %dma_start3A_253] : memref<16384x64xf32, #tpu.memory_space<vmem>> -> memref<2048x64xf32, #tpu.memory_space<vmem>>
    tpu.enqueue_dma source(%dma_start3A_254 : memref<2048x64xf32, #tpu.memory_space<vmem>>) target(%dma_start3A_251 : memref<2048x64xf32, #tpu.memory_space<any>>) target_semaphore(%arg19 : memref<!tpu.dma_semaphore, #tpu.memory_space<semaphore_mem>>)
    %dma_wait3A_255 = arith.constant 12288 : i32
    %dma_wait3A_256 = arith.constant 0 : i32
    %dma_wait3A_257 = tpu.memref_slice %arg4[%dma_wait3A_255, %dma_wait3A_256] : memref<16384x128xf32, #tpu.memory_space<vmem>> -> memref<2048x128xf32, #tpu.memory_space<vmem>>
    %dma_wait3A_258 = arith.constant 12288 : i32
    %dma_wait3A_259 = arith.constant 0 : i32
    %dma_wait3A_260 = tpu.memref_slice %arg0[%dma_wait3A_258, %dma_wait3A_259] : memref<16384x128xf32, #tpu.memory_space<any>> -> memref<2048x128xf32, #tpu.memory_space<any>>
    tpu.wait_dma2 semaphore(%arg12 : memref<!tpu.dma_semaphore, #tpu.memory_space<semaphore_mem>>) src(%dma_wait3A_260 : memref<2048x128xf32, #tpu.memory_space<any>>) dst(%dma_wait3A_257 : memref<2048x128xf32, #tpu.memory_space<vmem>>)
    %get3A_261 = arith.constant 12288 : index
    %get3A_262 = arith.constant 0 : index
    %get3A_263 = vector.load %arg4[%get3A_261, %get3A_262] : memref<16384x128xf32, #tpu.memory_space<vmem>>, vector<2048x128xf32>
    %get3A_264 = arith.constant 0 : index
    %get3A_265 = arith.constant 0 : index
    %get3A_266 = vector.load %arg1[%get3A_264, %get3A_265] : memref<128x64xf32, #tpu.memory_space<vmem>>, vector<128x64xf32>
    %dot_general3A_267 = arith.constant dense<0.000000e+00> : vector<2048x64xf32>
    %dot_general3A_268 = tpu.matmul %get3A_263, %get3A_266, %dot_general3A_267 {dimension_numbers = #tpu.dot_dimension_numbers<[1], [0], [0], [1], [0, 0, 1, 1], [], []>, transpose_lhs_hint = false} : vector<2048x128xf32>, vector<128x64xf32>, vector<2048x64xf32> -> vector<2048x64xf32>
    %get3A_269 = arith.constant 0 : index
    %get3A_270 = arith.constant 0 : index
    %get3A_271 = vector.load %arg2[%get3A_269, %get3A_270] : memref<1x64xf32, #tpu.memory_space<vmem>>, vector<1x64xf32>
    %add3A_272 = vector.broadcast %get3A_271 : vector<1x64xf32> to vector<2048x64xf32>
    %add3A_273 = arith.addf %dot_general3A_268, %add3A_272 : vector<2048x64xf32>
    %mul3A_274 = arith.mulf %add3A_273, %add3A_273 : vector<2048x64xf32>
    %dot_general3A_275 = arith.constant dense<0.000000e+00> : vector<2048x64xf32>
    %dot_general3A_276 = tpu.matmul %mul3A_274, %broadcast_in_dim3A_0, %dot_general3A_275 {dimension_numbers = #tpu.dot_dimension_numbers<[1], [0], [0], [1], [0, 0, 1, 1], [], []>, transpose_lhs_hint = false} : vector<2048x64xf32>, vector<64x64xf32>, vector<2048x64xf32> -> vector<2048x64xf32>
    %max3A_277 = arith.constant 1.000000e-24 : f32
    %max3A_278 = vector.broadcast %max3A_277 : f32 to vector<2048x64xf32>
    %max3A_279 = arith.maximumf %dot_general3A_276, %max3A_278 : vector<2048x64xf32>
    %sqrt3A_280 = math.sqrt %max3A_279 : vector<2048x64xf32>
    %div3A_281 = arith.divf %add3A_273, %sqrt3A_280 : vector<2048x64xf32>
    %swap3A_282 = arith.constant 12288 : index
    %swap3A_283 = arith.constant 0 : index
    %swap3A_284 = vector.load %arg5[%swap3A_282, %swap3A_283] : memref<16384x64xf32, #tpu.memory_space<vmem>>, vector<2048x64xf32>
    tpu.vector_store %arg5[%swap3A_282, %swap3A_283], %div3A_281 {strides = array<i32>} : memref<16384x64xf32, #tpu.memory_space<vmem>>, vector<2048x64xf32>,
    %dma_start3A_285 = arith.constant 12288 : i32
    %dma_start3A_286 = arith.constant 0 : i32
    %dma_start3A_287 = tpu.memref_slice %arg3[%dma_start3A_285, %dma_start3A_286] : memref<16384x64xf32, #tpu.memory_space<any>> -> memref<2048x64xf32, #tpu.memory_space<any>>
    %dma_start3A_288 = arith.constant 12288 : i32
    %dma_start3A_289 = arith.constant 0 : i32
    %dma_start3A_290 = tpu.memref_slice %arg5[%dma_start3A_288, %dma_start3A_289] : memref<16384x64xf32, #tpu.memory_space<vmem>> -> memref<2048x64xf32, #tpu.memory_space<vmem>>
    tpu.enqueue_dma source(%dma_start3A_290 : memref<2048x64xf32, #tpu.memory_space<vmem>>) target(%dma_start3A_287 : memref<2048x64xf32, #tpu.memory_space<any>>) target_semaphore(%arg20 : memref<!tpu.dma_semaphore, #tpu.memory_space<semaphore_mem>>)
    %dma_wait3A_291 = arith.constant 14336 : i32
    %dma_wait3A_292 = arith.constant 0 : i32
    %dma_wait3A_293 = tpu.memref_slice %arg4[%dma_wait3A_291, %dma_wait3A_292] : memref<16384x128xf32, #tpu.memory_space<vmem>> -> memref<2048x128xf32, #tpu.memory_space<vmem>>
    %dma_wait3A_294 = arith.constant 14336 : i32
    %dma_wait3A_295 = arith.constant 0 : i32
    %dma_wait3A_296 = tpu.memref_slice %arg0[%dma_wait3A_294, %dma_wait3A_295] : memref<16384x128xf32, #tpu.memory_space<any>> -> memref<2048x128xf32, #tpu.memory_space<any>>
    tpu.wait_dma2 semaphore(%arg13 : memref<!tpu.dma_semaphore, #tpu.memory_space<semaphore_mem>>) src(%dma_wait3A_296 : memref<2048x128xf32, #tpu.memory_space<any>>) dst(%dma_wait3A_293 : memref<2048x128xf32, #tpu.memory_space<vmem>>)
    %get3A_297 = arith.constant 14336 : index
    %get3A_298 = arith.constant 0 : index
    %get3A_299 = vector.load %arg4[%get3A_297, %get3A_298] : memref<16384x128xf32, #tpu.memory_space<vmem>>, vector<2048x128xf32>
    %get3A_300 = arith.constant 0 : index
    %get3A_301 = arith.constant 0 : index
    %get3A_302 = vector.load %arg1[%get3A_300, %get3A_301] : memref<128x64xf32, #tpu.memory_space<vmem>>, vector<128x64xf32>
    %dot_general3A_303 = arith.constant dense<0.000000e+00> : vector<2048x64xf32>
    %dot_general3A_304 = tpu.matmul %get3A_299, %get3A_302, %dot_general3A_303 {dimension_numbers = #tpu.dot_dimension_numbers<[1], [0], [0], [1], [0, 0, 1, 1], [], []>, transpose_lhs_hint = false} : vector<2048x128xf32>, vector<128x64xf32>, vector<2048x64xf32> -> vector<2048x64xf32>
    %get3A_305 = arith.constant 0 : index
    %get3A_306 = arith.constant 0 : index
    %get3A_307 = vector.load %arg2[%get3A_305, %get3A_306] : memref<1x64xf32, #tpu.memory_space<vmem>>, vector<1x64xf32>
    %add3A_308 = vector.broadcast %get3A_307 : vector<1x64xf32> to vector<2048x64xf32>
    %add3A_309 = arith.addf %dot_general3A_304, %add3A_308 : vector<2048x64xf32>
    %mul3A_310 = arith.mulf %add3A_309, %add3A_309 : vector<2048x64xf32>
    %dot_general3A_311 = arith.constant dense<0.000000e+00> : vector<2048x64xf32>
    %dot_general3A_312 = tpu.matmul %mul3A_310, %broadcast_in_dim3A_0, %dot_general3A_311 {dimension_numbers = #tpu.dot_dimension_numbers<[1], [0], [0], [1], [0, 0, 1, 1], [], []>, transpose_lhs_hint = false} : vector<2048x64xf32>, vector<64x64xf32>, vector<2048x64xf32> -> vector<2048x64xf32>
    %max3A_313 = arith.constant 1.000000e-24 : f32
    %max3A_314 = vector.broadcast %max3A_313 : f32 to vector<2048x64xf32>
    %max3A_315 = arith.maximumf %dot_general3A_312, %max3A_314 : vector<2048x64xf32>
    %sqrt3A_316 = math.sqrt %max3A_315 : vector<2048x64xf32>
    %div3A_317 = arith.divf %add3A_309, %sqrt3A_316 : vector<2048x64xf32>
    %swap3A_318 = arith.constant 14336 : index
    %swap3A_319 = arith.constant 0 : index
    %swap3A_320 = vector.load %arg5[%swap3A_318, %swap3A_319] : memref<16384x64xf32, #tpu.memory_space<vmem>>, vector<2048x64xf32>
    tpu.vector_store %arg5[%swap3A_318, %swap3A_319], %div3A_317 {strides = array<i32>} : memref<16384x64xf32, #tpu.memory_space<vmem>>, vector<2048x64xf32>,
    %dma_start3A_321 = arith.constant 14336 : i32
    %dma_start3A_322 = arith.constant 0 : i32
    %dma_start3A_323 = tpu.memref_slice %arg3[%dma_start3A_321, %dma_start3A_322] : memref<16384x64xf32, #tpu.memory_space<any>> -> memref<2048x64xf32, #tpu.memory_space<any>>
    %dma_start3A_324 = arith.constant 14336 : i32
    %dma_start3A_325 = arith.constant 0 : i32
    %dma_start3A_326 = tpu.memref_slice %arg5[%dma_start3A_324, %dma_start3A_325] : memref<16384x64xf32, #tpu.memory_space<vmem>> -> memref<2048x64xf32, #tpu.memory_space<vmem>>
    tpu.enqueue_dma source(%dma_start3A_326 : memref<2048x64xf32, #tpu.memory_space<vmem>>) target(%dma_start3A_323 : memref<2048x64xf32, #tpu.memory_space<any>>) target_semaphore(%arg21 : memref<!tpu.dma_semaphore, #tpu.memory_space<semaphore_mem>>)
    %dma_wait3A_327 = arith.constant 0 : i32
    %dma_wait3A_328 = arith.constant 0 : i32
    %dma_wait3A_329 = tpu.memref_slice %arg3[%dma_wait3A_327, %dma_wait3A_328] : memref<16384x64xf32, #tpu.memory_space<any>> -> memref<2048x64xf32, #tpu.memory_space<any>>
    %dma_wait3A_330 = arith.constant 0 : i32
    %dma_wait3A_331 = arith.constant 0 : i32
    %dma_wait3A_332 = tpu.memref_slice %arg5[%dma_wait3A_330, %dma_wait3A_331] : memref<16384x64xf32, #tpu.memory_space<vmem>> -> memref<2048x64xf32, #tpu.memory_space<vmem>>
    tpu.wait_dma2 semaphore(%arg14 : memref<!tpu.dma_semaphore, #tpu.memory_space<semaphore_mem>>) src(%dma_wait3A_332 : memref<2048x64xf32, #tpu.memory_space<vmem>>) dst(%dma_wait3A_329 : memref<2048x64xf32, #tpu.memory_space<any>>)
    %dma_wait3A_333 = arith.constant 2048 : i32
    %dma_wait3A_334 = arith.constant 0 : i32
    %dma_wait3A_335 = tpu.memref_slice %arg3[%dma_wait3A_333, %dma_wait3A_334] : memref<16384x64xf32, #tpu.memory_space<any>> -> memref<2048x64xf32, #tpu.memory_space<any>>
    %dma_wait3A_336 = arith.constant 2048 : i32
    %dma_wait3A_337 = arith.constant 0 : i32
    %dma_wait3A_338 = tpu.memref_slice %arg5[%dma_wait3A_336, %dma_wait3A_337] : memref<16384x64xf32, #tpu.memory_space<vmem>> -> memref<2048x64xf32, #tpu.memory_space<vmem>>
    tpu.wait_dma2 semaphore(%arg15 : memref<!tpu.dma_semaphore, #tpu.memory_space<semaphore_mem>>) src(%dma_wait3A_338 : memref<2048x64xf32, #tpu.memory_space<vmem>>) dst(%dma_wait3A_335 : memref<2048x64xf32, #tpu.memory_space<any>>)
    %dma_wait3A_339 = arith.constant 4096 : i32
    %dma_wait3A_340 = arith.constant 0 : i32
    %dma_wait3A_341 = tpu.memref_slice %arg3[%dma_wait3A_339, %dma_wait3A_340] : memref<16384x64xf32, #tpu.memory_space<any>> -> memref<2048x64xf32, #tpu.memory_space<any>>
    %dma_wait3A_342 = arith.constant 4096 : i32
    %dma_wait3A_343 = arith.constant 0 : i32
    %dma_wait3A_344 = tpu.memref_slice %arg5[%dma_wait3A_342, %dma_wait3A_343] : memref<16384x64xf32, #tpu.memory_space<vmem>> -> memref<2048x64xf32, #tpu.memory_space<vmem>>
    tpu.wait_dma2 semaphore(%arg16 : memref<!tpu.dma_semaphore, #tpu.memory_space<semaphore_mem>>) src(%dma_wait3A_344 : memref<2048x64xf32, #tpu.memory_space<vmem>>) dst(%dma_wait3A_341 : memref<2048x64xf32, #tpu.memory_space<any>>)
    %dma_wait3A_345 = arith.constant 6144 : i32
    %dma_wait3A_346 = arith.constant 0 : i32
    %dma_wait3A_347 = tpu.memref_slice %arg3[%dma_wait3A_345, %dma_wait3A_346] : memref<16384x64xf32, #tpu.memory_space<any>> -> memref<2048x64xf32, #tpu.memory_space<any>>
    %dma_wait3A_348 = arith.constant 6144 : i32
    %dma_wait3A_349 = arith.constant 0 : i32
    %dma_wait3A_350 = tpu.memref_slice %arg5[%dma_wait3A_348, %dma_wait3A_349] : memref<16384x64xf32, #tpu.memory_space<vmem>> -> memref<2048x64xf32, #tpu.memory_space<vmem>>
    tpu.wait_dma2 semaphore(%arg17 : memref<!tpu.dma_semaphore, #tpu.memory_space<semaphore_mem>>) src(%dma_wait3A_350 : memref<2048x64xf32, #tpu.memory_space<vmem>>) dst(%dma_wait3A_347 : memref<2048x64xf32, #tpu.memory_space<any>>)
    %dma_wait3A_351 = arith.constant 8192 : i32
    %dma_wait3A_352 = arith.constant 0 : i32
    %dma_wait3A_353 = tpu.memref_slice %arg3[%dma_wait3A_351, %dma_wait3A_352] : memref<16384x64xf32, #tpu.memory_space<any>> -> memref<2048x64xf32, #tpu.memory_space<any>>
    %dma_wait3A_354 = arith.constant 8192 : i32
    %dma_wait3A_355 = arith.constant 0 : i32
    %dma_wait3A_356 = tpu.memref_slice %arg5[%dma_wait3A_354, %dma_wait3A_355] : memref<16384x64xf32, #tpu.memory_space<vmem>> -> memref<2048x64xf32, #tpu.memory_space<vmem>>
    tpu.wait_dma2 semaphore(%arg18 : memref<!tpu.dma_semaphore, #tpu.memory_space<semaphore_mem>>) src(%dma_wait3A_356 : memref<2048x64xf32, #tpu.memory_space<vmem>>) dst(%dma_wait3A_353 : memref<2048x64xf32, #tpu.memory_space<any>>)
    %dma_wait3A_357 = arith.constant 10240 : i32
    %dma_wait3A_358 = arith.constant 0 : i32
    %dma_wait3A_359 = tpu.memref_slice %arg3[%dma_wait3A_357, %dma_wait3A_358] : memref<16384x64xf32, #tpu.memory_space<any>> -> memref<2048x64xf32, #tpu.memory_space<any>>
    %dma_wait3A_360 = arith.constant 10240 : i32
    %dma_wait3A_361 = arith.constant 0 : i32
    %dma_wait3A_362 = tpu.memref_slice %arg5[%dma_wait3A_360, %dma_wait3A_361] : memref<16384x64xf32, #tpu.memory_space<vmem>> -> memref<2048x64xf32, #tpu.memory_space<vmem>>
    tpu.wait_dma2 semaphore(%arg19 : memref<!tpu.dma_semaphore, #tpu.memory_space<semaphore_mem>>) src(%dma_wait3A_362 : memref<2048x64xf32, #tpu.memory_space<vmem>>) dst(%dma_wait3A_359 : memref<2048x64xf32, #tpu.memory_space<any>>)
    %dma_wait3A_363 = arith.constant 12288 : i32
    %dma_wait3A_364 = arith.constant 0 : i32
    %dma_wait3A_365 = tpu.memref_slice %arg3[%dma_wait3A_363, %dma_wait3A_364] : memref<16384x64xf32, #tpu.memory_space<any>> -> memref<2048x64xf32, #tpu.memory_space<any>>
    %dma_wait3A_366 = arith.constant 12288 : i32
    %dma_wait3A_367 = arith.constant 0 : i32
    %dma_wait3A_368 = tpu.memref_slice %arg5[%dma_wait3A_366, %dma_wait3A_367] : memref<16384x64xf32, #tpu.memory_space<vmem>> -> memref<2048x64xf32, #tpu.memory_space<vmem>>
    tpu.wait_dma2 semaphore(%arg20 : memref<!tpu.dma_semaphore, #tpu.memory_space<semaphore_mem>>) src(%dma_wait3A_368 : memref<2048x64xf32, #tpu.memory_space<vmem>>) dst(%dma_wait3A_365 : memref<2048x64xf32, #tpu.memory_space<any>>)
    %dma_wait3A_369 = arith.constant 14336 : i32
    %dma_wait3A_370 = arith.constant 0 : i32
    %dma_wait3A_371 = tpu.memref_slice %arg3[%dma_wait3A_369, %dma_wait3A_370] : memref<16384x64xf32, #tpu.memory_space<any>> -> memref<2048x64xf32, #tpu.memory_space<any>>
    %dma_wait3A_372 = arith.constant 14336 : i32
    %dma_wait3A_373 = arith.constant 0 : i32
    %dma_wait3A_374 = tpu.memref_slice %arg5[%dma_wait3A_372, %dma_wait3A_373] : memref<16384x64xf32, #tpu.memory_space<vmem>> -> memref<2048x64xf32, #tpu.memory_space<vmem>>
    tpu.wait_dma2 semaphore(%arg21 : memref<!tpu.dma_semaphore, #tpu.memory_space<semaphore_mem>>) src(%dma_wait3A_374 : memref<2048x64xf32, #tpu.memory_space<vmem>>) dst(%dma_wait3A_371 : memref<2048x64xf32, #tpu.memory_space<any>>)
    return
  }
}

</mosaic_0001>

<sc_bundles>
// kernel: kernel.4.cloned.1.call-start
scs
__scs_entry_jumppad:
0x0: {  	(pc) =	sbr.rel $0x88, $3  }
0x1: {  	(tag) =	ssettag $0x0;
	lr =	simm.s32 $0x1  }
0x2: {  	[smem:$0x3F9D] =	sst lr;
	_ =	strace $0xD0000000  }
0x3: {  	_ = 	snop  }
0x4: {  	_ = 	snop  }
0x5: {  	_ = 	snop  }
0x6: {  	_ = 	snop  }
0x7: {  	_ = 	snop  }
__scs_overlays_trampoline_lowered:
0x8: {  	[smem:$0x3FAC] =	sst s0  }
0x9: {  	[smem:$0x3FAD] =	sst s1  }
0xa: {  	[smem:$0x3FAE] =	sst s2  }
0xb: {  	[smem:$0x3FAF] =	sst s3  }
0xc: {  	[smem:$0x3FB0] =	sst s4  }
0xd: {  	[smem:$0x3FB1] =	sst s5  }
0xe: {  	[smem:$0x3FB2] =	sst s6  }
0xf: {  	[smem:$0x3FB3] =	sst s7  }
0x10: {  	[smem:$0x3FB4] =	sst s8  }
0x11: {  	[smem:$0x3FB5] =	sst s9;
	s0 =	simm.s32 @!p0 $0x0  }
0x12: {  	s1 =	sld [smem:$0x3F9B];
	s0 =	simm.s32 @p0 $0x1  }
0x13: {  	[smem:$0x3FB6] =	sst s0;
	s0 =	simm.s32 @!p1 $0x0  }
0x14: {  	s2 =	sld [smem:$0x3F9A];
	s0 =	simm.s32 @p1 $0x1  }
0x15: {  	[smem:$0x3FB7] =	sst s0;
	s0 =	simm.s32 @!p2 $0x0  }
0x16: {  	s3 =	sld [smem:$0x3FDB];
	s0 =	simm.s32 @p2 $0x1  }
0x17: {  	s4 =	simm.s32 $0x1BF5;
	[smem:$0x3FB9] =	sst s0  }
0x18: {  	s0 =	sld [smem:$0x3F9C];
	_ =	swait.ge [sflag:s4], $0x0  }
0x19: {  	s7 =	sld [smem:$0x3F9D]  }
0x1a: {  	s8 =	sadd.s32 $0xFFFFE003, lr  }
0x1b: {  	s9 =	sadd.s32 $0xFFFFFEF7, lr;
	s5 =	simm.s32 $0xFFFFFFFF;
	p2 =	slt.u32 s8, $0xFFFFF086  }
0x1c: {  	p1 =	slt.u32 s9, $0xF7A;
	s5 =	simm.s32 @!p2 $0x0  }
0x1d: {  	s5 =	simm.s32 @p1 $0x1;
	p0 =	seq.s32 s7, s2  }
0x1e: {  	s7 =	smul.u32 @!p0 $0xF7A, s2;
	p2 =	seq.s32 @!p0 s5, $0x0  }
0x1f: {  	s9 =	smul.u32 $0xF7A, s1;
	s8 =	simm.s32 @!p0 $0x1BF5;
	p2 =	por !p2, p0  }
0x20: {  	[sflag:s8] =	ssyncset.s32 @!p0 $0xFFFFF086;
	s6 =	sadd.s32 @!p0 s3, s7;
	s7 =	simm.s32 @!p0 $0x108  }
0x21: {  	s3 =	sadd.s32 s3, s9;
	s6 =	sadd.s32 @!p0 $0x88, s6;
	s7 =	simm.s32 @p2 $0x1082  }
0x22: {  	[simem:s7], [sflag:s8] =	dma.local @!p0 [hbm:s6], $0xF7A  }
0x23: {  	s9 =	sor.u32 $0xD0000000, s2;
	s6 =	simm.s32 $0x108;
	_ =	swait.ge @!p0 [sflag:s8], $0x0  }
0x24: {  	s3 =	sadd.s32 $0x88, s3;
	s6 =	simm.s32 @!p1 $0x1082;
	[sflag:s4] =	ssyncset.s32 $0xFFFFF086  }
0x25: {  	[simem:s6], [sflag:s4] =	dma.local [hbm:s3], $0xF7A  }
0x26: {  	[smem:$0x3F9D] =	sst s1;
	(tag) =	ssettag s2;
	_ =	strace s9  }
0x27: {  	s1 =	sld [smem:$0x3FAD]  }
0x28: {  	s2 =	sld [smem:$0x3FAE]  }
0x29: {  	s4 =	sld [smem:$0x3FB0]  }
0x2a: {  	p0 =	seq.s32 s5, $0x0;
	s5 =	sld [smem:$0x3FB1]  }
0x2b: {  	s6 =	sld [smem:$0x3FB2]  }
0x2c: {  	s7 =	sld [smem:$0x3FB3]  }
0x2d: {  	s3 =	simm.s32 $0x108;
	s8 =	sld [smem:$0x3FB4]  }
0x2e: {  	s3 =	simm.s32 @!p0 $0x1082;
	s9 =	sld [smem:$0x3FB5]  }
0x2f: {  	lr =	sadd.s32 s0, s3;
	s0 =	sld [smem:$0x3FAC]  }
0x30: {  	s3 =	sld [smem:$0x3FAF]  }
0x31: {  	[smem:$0x3FB8] =	sst s10  }
0x32: {  	s10 =	sld [smem:$0x3FB6];
	_ =	sdelay $0x3  }
0x33: {  	p0 =	seq.s32 s10, $0x1;
	s10 =	sld [smem:$0x3FB8];
	_ =	sdelay $0x3  }
0x34: {  	[smem:$0x3FB8] =	sst s10  }
0x35: {  	s10 =	sld [smem:$0x3FB7];
	_ =	sdelay $0x3  }
0x36: {  	p1 =	seq.s32 s10, $0x1;
	s10 =	sld [smem:$0x3FB8];
	_ =	sdelay $0x3  }
0x37: {  	[smem:$0x3FB8] =	sst s10  }
0x38: {  	s10 =	sld [smem:$0x3FB9]  }
0x39: {  	_ = 	snop;
	(pc) =	sbr.ind lr, $3  }
0x3a: {  	_ = 	snop  }
0x3b: {  	_ = 	snop  }
0x3c: {  	p2 =	seq.s32 s10, $0x1;
	s10 =	sld [smem:$0x3FB8]  }
0x3d: {  	_ =	shalt  }
0x3e: {  	_ =	shalt  }
0x3f: {  	_ =	shalt  }
0x40: {  	_ =	shalt  }
0x41: {  	_ =	shalt  }
0x42: {  	_ =	shalt  }
0x43: {  	_ =	shalt  }
0x44: {  	_ =	shalt  }
0x45: {  	_ =	shalt  }
0x46: {  	_ =	shalt  }
0x47: {  	_ =	shalt  }
0x48: {  	_ =	shalt  }
0x49: {  	_ =	shalt  }
0x4a: {  	_ =	shalt  }
0x4b: {  	_ =	shalt  }
0x4c: {  	_ =	shalt  }
0x4d: {  	_ =	shalt  }
0x4e: {  	_ =	shalt  }
0x4f: {  	_ =	shalt  }
0x50: {  	_ =	shalt  }
0x51: {  	_ =	shalt  }
0x52: {  	_ =	shalt  }
0x53: {  	_ =	shalt  }
0x54: {  	_ =	shalt  }
0x55: {  	_ =	shalt  }
0x56: {  	_ =	shalt  }
0x57: {  	_ =	shalt  }
0x58: {  	_ =	shalt  }
0x59: {  	_ =	shalt  }
0x5a: {  	_ =	shalt  }
0x5b: {  	_ =	shalt  }
0x5c: {  	_ =	shalt  }
0x5d: {  	_ =	shalt  }
0x5e: {  	_ =	shalt  }
0x5f: {  	_ =	shalt  }
0x60: {  	_ =	shalt  }
0x61: {  	_ =	shalt  }
0x62: {  	_ =	shalt  }
0x63: {  	_ =	shalt  }
0x64: {  	_ =	shalt  }
0x65: {  	_ =	shalt  }
0x66: {  	_ =	shalt  }
0x67: {  	_ =	shalt  }
0x68: {  	_ =	shalt  }
0x69: {  	_ =	shalt  }
0x6a: {  	_ =	shalt  }
0x6b: {  	_ =	shalt  }
0x6c: {  	_ =	shalt  }
0x6d: {  	_ =	shalt  }
0x6e: {  	_ =	shalt  }
0x6f: {  	_ =	shalt  }
0x70: {  	_ =	shalt  }
0x71: {  	_ =	shalt  }
0x72: {  	_ =	shalt  }
0x73: {  	_ =	shalt  }
0x74: {  	_ =	shalt  }
0x75: {  	_ =	shalt  }
0x76: {  	_ =	shalt  }
0x77: {  	_ =	shalt  }
0x78: {  	_ =	shalt  }
0x79: {  	_ =	shalt  }
0x7a: {  	_ =	shalt  }
0x7b: {  	_ =	shalt  }
0x7c: {  	_ =	shalt  }
0x7d: {  	_ =	shalt  }
0x7e: {  	_ =	shalt  }
0x7f: {  	_ =	shalt  }
0x80: {  	_ =	shalt  }
0x81: {  	_ =	shalt  }
0x82: {  	_ =	shalt  }
0x83: {  	_ =	shalt  }
0x84: {  	_ =	shalt  }
0x85: {  	_ =	shalt  }
0x86: {  	_ =	shalt  }
0x87: {  	_ =	shalt  }
.Lfunc_end0:
.L_simem_size_0:
called_computation_lowered:
.L_overlay_start_0:
0x88: {  	s2 =	sld [smem:$0x3FD9]  }
0x89: {  	s3 =	sld [smem:$0x3FFE];
	_ =	sdelay $0x1  }
0x8a: {  	s1 =	srdreg.scid  }
0x8b: {  	s0 =	sand.u32 $0x1, s1  }
0x8c: {  	s17 =	sshll.u32 s0, $0xA;
	s2 =	sadd.s32 s3, s2  }
0x8d: {  	s2 =	sadd.s32 s2, s17  }
0x8e: {  	[smem:$0x3FC4] =	sst s2  }
0x8f: {  	_ = 	snop  }
0x90: {  	s2 =	sld [smem:$0x3FC9]  }
0x91: {  	s18 =	sld [smem:$0x3FC8];
	(tm) =	ssettm $0x1  }
0x92: {  	s4 =	sld [smem:$0x3FFB];
	_ =	sdelay $0x3  }
0x93: {  	_ =	strace s4  }
0x94: {  	s4 =	sld [smem:$0x3FFC];
	_ =	sdelay $0x3  }
0x95: {  	_ =	strace s4  }
0x96: {  	s4 =	sld [smem:$0x3FFD];
	_ =	sdelay $0x3  }
0x97: {  	_ =	strace s4  }
0x98: {  	_ =	strace $0x8FFFFFFF  }
0x99: {  	s19 =	sld [smem:$0x3FDB];
	_ =	sdelay $0x1  }
0x9a: {  	s5 =	simm.s32 $_scs_section_size  }
0x9b: {  	s6 =	simm.s32 $_size__tile_overlayer_lowered;
	s7 =	simm.s32 $_tile_overlayer_lowered  }
0x9c: {  	s22 =	simm.s32 $0x1BFF;
	s21 =	sshll.u32 s7, $0x1;
	s4 =	sadd.s32 s5, s19  }
0x9d: {  	s8 =	simm.s32 $0x0;
	s20 =	sshll.u32 s6, $0x1;
	s6 =	sadd.s32 s21, s4  }
0x9e: {  	[timem:s8], [sflag:s22] =	dma.local [hbm:s6], s20  }
0x9f: {  	_ =	swait.ge [sflag:s22], s20  }
0xa0: {  	s5 =	ssub.s32 $0x0, s20;
	[sflag:s22] =	ssyncset.done $0x0  }
0xa1: {  	[sflag:s22] =	ssyncadd.s32 s5;
	_ =	sdelay $0x1  }
0xa2: {  	s23 =	simm.s32 $0x1B8B  }
0xa3: {  	_ =	swait.ge [sflag:s23], $0x1  }
0xa4: {  	[sflag:s23] =	ssyncset.done $0x0  }
0xa5: {  	s25 =	simm.s32 $0x1B8E;
	s24 =	sld [smem:$0x3FFE];
	[sflag:s23] =	ssyncadd.s32 $0xFFFFFFFF  }
0xa6: {  	s26 =	simm.s32 $execute0_lowered;
	[smem:$0x3FD2] =	sst s25  }
0xa7: {  	s6 =	sshll.u32 s26, $0x1;
	_ =	strace $0x80000046;
	[dreg:$0x1] =	wrdreg $0xFFFFFFFF  }
0xa8: {  	s28 =	simm.s32 $_size_execute0_lowered;
	s4 =	sadd.s32 s4, s6;
	[dreg:$0x0] =	wrdreg $0x0  }
0xa9: {  	s6 =	sshll.u32 s28, $0x1;
	[dreg:$0x2] =	wrdreg s4  }
0xaa: {  	[dreg:$0x3] =	wrdreg s6  }
0xab: {  	[dreg:$0x4] =	wrdreg $0xC0  }
0xac: {  	_ =	task [dreg:s8], $0x5FFFF  }
0xad: {  	[dreg:$0x1] =	wrdreg $0xFFFFFFFF  }
0xae: {  	[dreg:$0x0] =	wrdreg $0x60  }
0xaf: {  	[dreg:$0x2] =	wrdreg s18  }
0xb0: {  	[dreg:$0x3] =	wrdreg s2  }
0xb1: {  	[dreg:$0x4] =	wrdreg s24  }
0xb2: {  	[dreg:$0x5] =	wrdreg $0x9  }
0xb3: {  	_ =	task.clear_ibuf [dreg:s8], $0x6FFFF;
	_ =	strace $0x90000046  }
0xb4: {  	s29 =	simm.s32 $0x9;
	_ =	strace $0x80000048  }
0xb5: {  	_ =	swait.ge [sflag:s29], $0x1  }
0xb6: {  	[sflag:s29] =	ssyncadd.s32 $0xFFFFFFFF  }
0xb7: {  	_ =	strace $0x90000048  }
0xb8: {  	_ =	sfence  }
0xb9: {  	s30 =	sld [smem:$0x0];
	_ =	sdelay $0x2  }
0xba: {  	s31 =	sshll.u32 s1, $0xD;
	s1 =	sshrl.u32 s1, $0x2  }
0xbb: {  	s3 =	sand.u32 $0x4000, s31;
	s1 =	sadd.s32 s1, s30  }
0xbc: {  	s0 =	sor.u32 s3, s0;
	s1 =	sshll.u32 s1, $0x11  }
0xbd: {  	s0 =	sor.u32 s1, s0  }
0xbe: {  	s0 =	sadd.s32 $0x8F2B, s0  }
0xbf: {  	[sflag:s0] =	ssyncadd.remote.s32 $0x1  }
0xc0: {  	_ =	sfence.sel $0xFFFF  }
0xc1: {  	[dreg:$0x0] =	wrdreg $0xFFFFFFFF;
	(pc) =	sbr.abs _section_cstart, $3  }
0xc2: {  	[dreg:$0x1] =	wrdreg $0xFFFFFFFF  }
0xc3: {  	_ =	task.clear_ibuf [dreg:s8], $0x2FFFF;
	_ =	strace $0x9FFFFFFF  }
0xc4: {  	(tm) =	ssettm $0x7FFFFFFF  }
0xc5: {  	_ =	shalt  }
tec
execute0_lowered:
.L_overlay_start_1:
0x0: {  	(tag) =	ssettag $0x1  }
0x1: {  	s1 =	rddreg [dreg:$0x0];
	s2 =	srdreg.scid  }
0x2: {  	s4 =	rddreg [dreg:$0x1];
	s0 =	stileid.u32;
	s22 =	sand.u32 $0x1, s2  }
0x3: {  	s14 =	rddreg [dreg:$0x2];
	s5 =	sshll.u32 s0, $0xA;
	s6 =	sshll.u32 s22, $0x9  }
0x4: {  	s3 =	simm.s32 $0x0;
	s2 =	rddreg [dreg:$0x3];
	s15 =	sor.u32 s6, s5  }
0x5: {  	[smem:$0x7FF] =	sst s3;
	s5 =	sshrl.u32 s15, $0x3  }
0x6: {  	_ =	strace $0x80000047;
	s4 =	sadd.s32 s4, s5;
	s5 =	simm.s32 $0x6  }
0x7: {  	[tilespmem:s3], [sflag:$0x6] =	stream.linear.gather [hbm4b:s4+s3], $0x200, $0x38;
	[tilespmem:$0x10200] =	vst v63  }
0x8: {  	_ =	swait.ge [sflag:s5], $0x200  }
0x9: {  	[sflag:s5] =	ssyncset.done $0x0  }
0xa: {  	s7 =	simm.s32 $0x200;
	s6 =	simm.s32 $0x80;
	[sflag:s5] =	ssyncadd.s32 $0xFFFFFE00  }
0xb: {  	[tilespmem:s7], [sflag:$0x1] =	stream.indirect.gather [hbm4b:s1+s6], $0x80, s3, s6, $0xb8;
	[tilespmem:$0x10200] =	vst v63  }
0xc: {  	s8 =	simm.s32 $0x4200  }
0xd: {  	[tilespmem:s8], [sflag:$0x2] =	stream.indirect.gather [hbm4b:s1+s6], $0x80, s6, s6, $0xb8;
	[tilespmem:$0x10200] =	vst v63  }
0xe: {  	s9 =	simm.s32 $0x100;
	s10 =	simm.s32 $0x8200  }
0xf: {  	[tilespmem:s10], [sflag:$0x3] =	stream.indirect.gather [hbm4b:s1+s6], $0x80, s9, s6, $0xb8;
	[tilespmem:$0x10200] =	vst v63  }
0x10: {  	s11 =	simm.s32 $0x180;
	s12 =	simm.s32 $0xC200;
	s13 =	simm.s32 $0x1  }
0x11: {  	[tilespmem:s12], [sflag:$0x4] =	stream.indirect.gather [hbm4b:s1+s6], $0x80, s11, s6, $0xb8;
	[tilespmem:$0x10200] =	vst v63  }
0x12: {  	s15 =	sshll.u32 s15, $0x4;
	_ =	swait.ge [sflag:s13], $0x4000  }
0x13: {  	s20 =	sadd.s32 s15, s14;
	[sflag:s13] =	ssyncset.done $0x0  }
0x14: {  	s15 =	simm.s32 $0x2;
	s14 =	sadd.s32 $0xA00, s20;
	[sflag:s13] =	ssyncadd.s32 $0xFFFFC000  }
0x15: {  	[hbm4b:s14+s3] =	stream.linear.scatter [tilespmem:s7], [sflag:$0x5], $0x4000, $0x38;
	[tilespmem:$0x10200] =	vst v63  }
0x16: {  	_ =	swait.ge [sflag:s15], $0x4000  }
0x17: {  	[sflag:s15] =	ssyncset.done $0x0  }
0x18: {  	s17 =	simm.s32 $0x3;
	s16 =	sadd.s32 $0x1200, s20;
	[sflag:s15] =	ssyncadd.s32 $0xFFFFC000  }
0x19: {  	[hbm4b:s16+s3] =	stream.linear.scatter [tilespmem:s8], [sflag:$0x5], $0x4000, $0x38;
	[tilespmem:$0x10200] =	vst v63  }
0x1a: {  	_ =	swait.ge [sflag:s17], $0x4000  }
0x1b: {  	[sflag:s17] =	ssyncset.done $0x0  }
0x1c: {  	s19 =	simm.s32 $0x4;
	s18 =	sadd.s32 $0x1A00, s20;
	[sflag:s17] =	ssyncadd.s32 $0xFFFFC000  }
0x1d: {  	[hbm4b:s18+s3] =	stream.linear.scatter [tilespmem:s10], [sflag:$0x5], $0x4000, $0x38;
	[tilespmem:$0x10200] =	vst v63  }
0x1e: {  	_ =	swait.ge [sflag:s19], $0x4000  }
0x1f: {  	[sflag:s19] =	ssyncset.done $0x0  }
0x20: {  	s21 =	sadd.s32 $0x2200, s20;
	s20 =	simm.s32 $0x5;
	[sflag:s19] =	ssyncadd.s32 $0xFFFFC000  }
0x21: {  	[hbm4b:s21+s3] =	stream.linear.scatter [tilespmem:s12], [sflag:$0x5], $0x4000, $0x38;
	[tilespmem:$0x10200] =	vst v63  }
0x22: {  	_ =	swait.ge [sflag:s20], $0x4000  }
0x23: {  	s22 =	ssub.s32 $0x2, s22;
	[sflag:s20] =	ssyncset.done $0x0  }
0x24: {  	s23 =	sshrl.u32 s22, $0x1;
	[sflag:s20] =	ssyncadd.s32 $0xFFFFC000  }
0x25: {  	s22 =	ssub.s32 s22, s23;
	_ =	swait.ge [sflag:s20], $0x4000  }
0x26: {  	s22 =	smax.u32 s22, $0x1;
	[sflag:s20] =	ssyncset.done $0x0  }
0x27: {  	p0 =	sne.s32 s22, $0x1;
	[sflag:s20] =	ssyncadd.s32 $0xFFFFC000  }
.Ltmp0:
0x28: {  	_ =	swait.ge [sflag:s20], $0x4000;
	(pc) =	sbr.rel @!p0 .LBB2_2-.Ltmp0, $4  }
0x29: {  	[sflag:s20] =	ssyncset.done $0x0  }
0x2a: {  	[sflag:s20] =	ssyncadd.s32 $0xFFFFC000  }
0x2b: {  	_ =	swait.ge [sflag:s20], $0x4000  }
0x2c: {  	s22 =	sadd.s32 $0xFFFFFFFF, s22;
	[sflag:s20] =	ssyncset.done $0x0  }
.LBB2_1:
0x2d: {  	p0 =	sne.s32 s22, $0x1;
	s22 =	sadd.s32 $0xFFFFFFFF, s22;
	[sflag:s20] =	ssyncadd.s32 $0xFFFFC000  }
0x2e: {  	[tilespmem:s3], [sflag:$0x6] =	stream.linear.gather [hbm4b:s4+s3], $0x200, $0x38;
	[tilespmem:$0x10200] =	vst v63  }
0x2f: {  	_ =	swait.ge [sflag:s5], $0x200  }
0x30: {  	[sflag:s5] =	ssyncset.done $0x0  }
0x31: {  	[sflag:s5] =	ssyncadd.s32 $0xFFFFFE00  }
0x32: {  	[tilespmem:s7], [sflag:$0x1] =	stream.indirect.gather [hbm4b:s1+s6], $0x80, s3, s6, $0xb8;
	[tilespmem:$0x10200] =	vst v63  }
0x33: {  	_ = 	snop  }
0x34: {  	[tilespmem:s8], [sflag:$0x2] =	stream.indirect.gather [hbm4b:s1+s6], $0x80, s6, s6, $0xb8;
	[tilespmem:$0x10200] =	vst v63  }
0x35: {  	_ = 	snop  }
0x36: {  	[tilespmem:s10], [sflag:$0x3] =	stream.indirect.gather [hbm4b:s1+s6], $0x80, s9, s6, $0xb8;
	[tilespmem:$0x10200] =	vst v63  }
0x37: {  	_ = 	snop  }
0x38: {  	[tilespmem:s12], [sflag:$0x4] =	stream.indirect.gather [hbm4b:s1+s6], $0x80, s11, s6, $0xb8;
	[tilespmem:$0x10200] =	vst v63  }
0x39: {  	_ =	swait.ge [sflag:s13], $0x4000  }
0x3a: {  	[sflag:s13] =	ssyncset.done $0x0  }
0x3b: {  	[sflag:s13] =	ssyncadd.s32 $0xFFFFC000  }
0x3c: {  	[hbm4b:s14+s3] =	stream.linear.scatter [tilespmem:s7], [sflag:$0x5], $0x4000, $0x38;
	[tilespmem:$0x10200] =	vst v63  }
0x3d: {  	_ =	swait.ge [sflag:s15], $0x4000  }
0x3e: {  	[sflag:s15] =	ssyncset.done $0x0  }
0x3f: {  	[sflag:s15] =	ssyncadd.s32 $0xFFFFC000  }
0x40: {  	[hbm4b:s16+s3] =	stream.linear.scatter [tilespmem:s8], [sflag:$0x5], $0x4000, $0x38;
	[tilespmem:$0x10200] =	vst v63  }
0x41: {  	_ =	swait.ge [sflag:s17], $0x4000  }
0x42: {  	[sflag:s17] =	ssyncset.done $0x0  }
0x43: {  	[sflag:s17] =	ssyncadd.s32 $0xFFFFC000  }
0x44: {  	[hbm4b:s18+s3] =	stream.linear.scatter [tilespmem:s10], [sflag:$0x5], $0x4000, $0x38;
	[tilespmem:$0x10200] =	vst v63  }
0x45: {  	_ =	swait.ge [sflag:s19], $0x4000  }
0x46: {  	[sflag:s19] =	ssyncset.done $0x0  }
0x47: {  	[sflag:s19] =	ssyncadd.s32 $0xFFFFC000  }
0x48: {  	[hbm4b:s21+s3] =	stream.linear.scatter [tilespmem:s12], [sflag:$0x5], $0x4000, $0x38;
	[tilespmem:$0x10200] =	vst v63  }
0x49: {  	_ =	swait.ge [sflag:s20], $0x4000  }
0x4a: {  	[sflag:s20] =	ssyncset.done $0x0  }
0x4b: {  	[sflag:s20] =	ssyncadd.s32 $0xFFFFC000  }
0x4c: {  	_ =	swait.ge [sflag:s20], $0x4000  }
0x4d: {  	[sflag:s20] =	ssyncset.done $0x0  }
0x4e: {  	[sflag:s20] =	ssyncadd.s32 $0xFFFFC000  }
.Ltmp1:
0x4f: {  	_ =	swait.ge [sflag:s20], $0x4000;
	(pc) =	sbr.rel @p0 .LBB2_1-.Ltmp1, $4  }
0x50: {  	[sflag:s20] =	ssyncset.done $0x0  }
0x51: {  	[sflag:s20] =	ssyncadd.s32 $0xFFFFC000  }
0x52: {  	_ =	swait.ge [sflag:s20], $0x4000  }
0x53: {  	[sflag:s20] =	ssyncset.done $0x0  }
.LBB2_2:
0x54: {  	[sflag:s20] =	ssyncadd.s32 $0xFFFFC000  }
0x55: {  	_ =	sfence.sel $0x180000  }
0x56: {  	[bflag:$0x0] =	sbarrier.arrive $0xFFFF  }
0x57: {  	p0 =	sne.s32 s0, $0x0;
	_ =	strace $0x90000047  }
0x58: {  	s0 =	sadd.s32 @!p0 $0x100000, s2;
	[bflag:$0x2] =	sbarrier.arrive $0xFFFF  }
0x59: {  	[sflag:s0] =	ssyncadd.tile.s32 @!p0 $0x1;
	_ =	shalt  }
.Lfunc_end2:
_tile_overlayer_lowered:
.L_overlay_start_2:
0x5a: {  	(tag) =	ssettag $0x2  }
0x5b: {  	s0 =	rddreg [dreg:$0x0];
	s2 =	stileid.u32  }
0x5c: {  	s1 =	rddreg [dreg:$0x1];
	p0 =	sne.s32 s2, $0x0  }
0x5d: {  	s3 =	rddreg [dreg:$0x2];
	[bflag:$0x3] =	sbarrier.arrive $0xFFFF;
	s2 =	simm.s32 @!p0 $0x1C06  }
0x5e: {  	[timem:s3], [sflag:s2] =	dma.local @!p0 [hbm:s0], s1  }
0x5f: {  	s0 =	simm.s32 @!p0 $0x6  }
0x60: {  	_ =	swait.ge @!p0 [sflag:s0], s1  }
0x61: {  	s1 =	ssub.s32 @!p0 $0x0, s1;
	[sflag:s0] =	ssyncset.done @!p0 $0x0  }
0x62: {  	[sflag:s0] =	ssyncadd.s32 @!p0 s1  }
0x63: {  	[bflag:$0x3] =	sbarrier.arrive $0xFFFF  }
0x64: {  	_ =	shalt  }

</sc_bundles>
